<compile_context>
chip_gen: v7x
topology: tpu7x:2x2x1
jax: 0.10.2.dev20260603
libtpu: 0.0.44.dev20260713+nightly
codegen_flags: <defaults>
</compile_context>

<pallas_src>
import functools

import jax
import jax.numpy as jnp
from jax import lax
from jax.experimental import pallas as pl
from jax.experimental.pallas import tpu as pltpu
from jax.experimental.pallas import tpu_sc as plsc

N_NODES = 10000
N_EDGES = 320000
D_NODE = 128
D_EDGE = 16
D_GLOBAL = 32

NC = 2
NS = 16
NW = NC * NS
EPT = N_EDGES // NW
C = 400
CHUNKS = EPT // C
N_AGG = 10240
ZROWS = N_AGG // NS


def _tc_nodes_body(x_ref, wr_ref, wc_ref, wn_ref, a_ref, b_ref, p_ref):
    x = x_ref[...]
    a_ref[...] = jnp.dot(x, wr_ref[...], preferred_element_type=jnp.float32)
    b_ref[...] = jnp.dot(x, wc_ref[...], preferred_element_type=jnp.float32)
    p_ref[...] = jnp.dot(x, wn_ref[...], preferred_element_type=jnp.float32)


def _tc_nodes(node_attr, We_r, We_c, Wn_n):
    blk = 1000
    grid = (N_NODES // blk,)
    return pl.pallas_call(
        _tc_nodes_body,
        grid=grid,
        in_specs=[
            pl.BlockSpec((blk, D_NODE), lambda i: (i, 0)),
            pl.BlockSpec((D_NODE, D_EDGE), lambda i: (0, 0)),
            pl.BlockSpec((D_NODE, D_EDGE), lambda i: (0, 0)),
            pl.BlockSpec((D_NODE, D_NODE), lambda i: (0, 0)),
        ],
        out_specs=[
            pl.BlockSpec((blk, D_EDGE), lambda i: (i, 0)),
            pl.BlockSpec((blk, D_EDGE), lambda i: (i, 0)),
            pl.BlockSpec((blk, D_NODE), lambda i: (i, 0)),
        ],
        out_shape=[
            jax.ShapeDtypeStruct((N_NODES, D_EDGE), jnp.float32),
            jax.ShapeDtypeStruct((N_NODES, D_EDGE), jnp.float32),
            jax.ShapeDtypeStruct((N_NODES, D_NODE), jnp.float32),
        ],
    )(node_attr, We_r, We_c, Wn_n)


PACK = 128 // D_EDGE
N_EP = N_EDGES // PACK


def _tc_edges_body(ea_ref, wbd_ref, g_ref, wg_ref, be_ref, e_ref):
    c16 = (jnp.dot(g_ref[...], wg_ref[...], preferred_element_type=jnp.float32)
           + be_ref[...])
    c128 = jnp.concatenate([c16] * PACK, axis=1)
    e_ref[...] = (jnp.dot(ea_ref[...], wbd_ref[...],
                          preferred_element_type=jnp.float32) + c128)


def _tc_edges(ea_packed, W_bd, global_attr, We_g, b_edge):
    blk = 4000
    grid = (N_EP // blk,)
    return pl.pallas_call(
        _tc_edges_body,
        grid=grid,
        in_specs=[
            pl.BlockSpec((blk, 128), lambda i: (i, 0)),
            pl.BlockSpec((128, 128), lambda i: (0, 0)),
            pl.BlockSpec((1, D_GLOBAL), lambda i: (0, 0)),
            pl.BlockSpec((D_GLOBAL, D_EDGE), lambda i: (0, 0)),
            pl.BlockSpec((1, D_EDGE), lambda i: (0, 0)),
        ],
        out_specs=pl.BlockSpec((blk, 128), lambda i: (i, 0)),
        out_shape=jax.ShapeDtypeStruct((N_EP, 128), jnp.float32),
    )(ea_packed, W_bd, global_attr, We_g, b_edge)


PC = C // PACK


def _sc_edge_body(A_hbm, B_hbm, E_hbm, ei_hbm,
                  ne_hbm, agg_hbm,
                  row_v, col_v, a_v, b_v, e_v, o_s, z_v, agg_sh,
                  sem_a0, sem_a1, sem_b0, sem_b1, sem_e0, sem_e1,
                  sem_st0, sem_st1):
    sem_a = (sem_a0, sem_a1)
    sem_b = (sem_b0, sem_b1)
    sem_e = (sem_e0, sem_e1)
    sem_st = (sem_st0, sem_st1)
    cid = lax.axis_index("c")
    sid = lax.axis_index("s")
    wid = sid * NC + cid
    base = wid * EPT
    base_p = wid * (EPT // PACK)

    def zfill(i, _):
        z_v[i, :] = jnp.zeros((16,), jnp.float32)
        return 0
    lax.fori_loop(0, ZROWS, zfill, 0, unroll=8)
    pltpu.sync_copy(z_v, agg_sh.at[pl.ds(sid * ZROWS, ZROWS)])

    pltpu.sync_copy(ei_hbm.at[0, pl.ds(base, EPT)], row_v)
    pltpu.sync_copy(ei_hbm.at[1, pl.ds(base, EPT)], col_v)

    def issue(j, b):
        pltpu.async_copy(A_hbm.at[row_v.at[pl.ds(j * C, C)]], a_v.at[b],
                         sem_a[b])
        pltpu.async_copy(B_hbm.at[col_v.at[pl.ds(j * C, C)]], b_v.at[b],
                         sem_b[b])
        pltpu.async_copy(E_hbm.at[pl.ds(base_p + j * PC, PC)], e_v.at[b],
                         sem_e[b])

    def wait_loads(j, b):
        pltpu.make_async_copy(A_hbm.at[row_v.at[pl.ds(j * C, C)]], a_v.at[b],
                              sem_a[b]).wait()
        pltpu.make_async_copy(B_hbm.at[col_v.at[pl.ds(j * C, C)]], b_v.at[b],
                              sem_b[b]).wait()
        pltpu.make_async_copy(E_hbm.at[pl.ds(base_p + j * PC, PC)], e_v.at[b],
                              sem_e[b]).wait()

    def compute_store(j, b):
        @pl.when(j >= 2)
        def _():
            pltpu.make_async_copy(o_s.at[b],
                                  ne_hbm.at[pl.ds(base + (j - 2) * C, C)],
                                  sem_st[b]).wait()
        wait_loads(j, b)

        def rowfn(q, _):
            for l in range(PACK):
                i = q * PACK + l
                o_s[b, i, :] = jnp.maximum(
                    a_v[b, i, :] + b_v[b, i, :]
                    + e_v[b, q, l * D_EDGE:(l + 1) * D_EDGE], 0.0)
            return 0
        lax.fori_loop(0, PC, rowfn, 0)

        pltpu.async_copy(o_s.at[b], ne_hbm.at[pl.ds(base + j * C, C)],
                         sem_st[b])
        pltpu.sync_copy(o_s.at[b], agg_sh.at[col_v.at[pl.ds(j * C, C)]],
                        add=True)

    issue(0, 0)
    plsc.subcore_barrier()

    def pair(p, _):
        j0 = p * 2

        @pl.when(j0 + 1 < CHUNKS)
        def _():
            issue(j0 + 1, 1)
        compute_store(j0, 0)

        @pl.when(j0 + 2 < CHUNKS)
        def _():
            issue(j0 + 2, 0)

        @pl.when(j0 + 1 < CHUNKS)
        def _():
            compute_store(j0 + 1, 1)
        return 0
    lax.fori_loop(0, (CHUNKS + 1) // 2, pair, 0)

    for b in (0, 1):
        j_last = CHUNKS - 1 if (CHUNKS - 1) % 2 == b else CHUNKS - 2
        pltpu.make_async_copy(o_s.at[b],
                              ne_hbm.at[pl.ds(base + j_last * C, C)],
                              sem_st[b]).wait()

    plsc.subcore_barrier()
    pltpu.sync_copy(agg_sh.at[pl.ds(sid * ZROWS, ZROWS)],
                    agg_hbm.at[cid, pl.ds(sid * ZROWS, ZROWS)])


def _sc_edge(A, B, E_packed, edge_index):
    mesh = plsc.VectorSubcoreMesh(core_axis_name="c", subcore_axis_name="s",
                                  num_cores=NC, num_subcores=NS)
    return pl.kernel(
        _sc_edge_body,
        out_type=(
            jax.ShapeDtypeStruct((N_EDGES, D_EDGE), jnp.float32),
            jax.ShapeDtypeStruct((NC, N_AGG, D_EDGE), jnp.float32),
        ),
        mesh=mesh,
        compiler_params=pltpu.CompilerParams(use_tc_tiling_on_sc=False),
        scratch_types=[
            pltpu.VMEM((EPT,), jnp.int32),
            pltpu.VMEM((EPT,), jnp.int32),
            pltpu.VMEM((2, C, D_EDGE), jnp.float32),
            pltpu.VMEM((2, C, D_EDGE), jnp.float32),
            pltpu.VMEM((2, PC, 128), jnp.float32),
            pltpu.VMEM((2, C, D_EDGE), jnp.float32),
            pltpu.VMEM((ZROWS, D_EDGE), jnp.float32),
            pltpu.VMEM_SHARED((N_AGG, D_EDGE), jnp.float32),
            pltpu.SemaphoreType.DMA,
            pltpu.SemaphoreType.DMA,
            pltpu.SemaphoreType.DMA,
            pltpu.SemaphoreType.DMA,
            pltpu.SemaphoreType.DMA,
            pltpu.SemaphoreType.DMA,
            pltpu.SemaphoreType.DMA,
            pltpu.SemaphoreType.DMA,
        ],
    )(A, B, E_packed, edge_index)


def _tc_node_global_body(agg_ref, p_ref, wna_ref, bn_ref,
                         wgn_ref, wge_ref, wgg_ref, bg_ref, g_ref,
                         nn_ref, gout_ref, accn, acce):
    i = pl.program_id(0)
    aggb = agg_ref[0] + agg_ref[1]
    nn = jnp.maximum(
        p_ref[...]
        + jnp.dot(aggb, wna_ref[...], preferred_element_type=jnp.float32)
        + bn_ref[...], 0.0)
    nn_ref[...] = nn

    @pl.when(i == 0)
    def _():
        accn[...] = jnp.zeros_like(accn)
        acce[...] = jnp.zeros_like(acce)

    accn[...] += jnp.sum(nn, axis=0, keepdims=True)
    acce[...] += jnp.sum(aggb, axis=0, keepdims=True)

    @pl.when(i == pl.num_programs(0) - 1)
    def _():
        nm = accn[...] / float(N_NODES)
        em = acce[...] / float(N_EDGES)
        gout_ref[...] = (
            jnp.dot(nm, wgn_ref[...], preferred_element_type=jnp.float32)
            + jnp.dot(em, wge_ref[...], preferred_element_type=jnp.float32)
            + jnp.dot(g_ref[...], wgg_ref[...], preferred_element_type=jnp.float32)
            + bg_ref[...])


def _tc_node_global(agg_parts, P, Wn_a, b_node, Wg_n, Wg_e, Wg_g,
                    b_global, global_attr):
    blk = 1000
    grid = (N_NODES // blk,)
    return pl.pallas_call(
        _tc_node_global_body,
        grid=grid,
        in_specs=[
            pl.BlockSpec((NC, blk, D_EDGE), lambda i: (0, i, 0)),
            pl.BlockSpec((blk, D_NODE), lambda i: (i, 0)),
            pl.BlockSpec((D_EDGE, D_NODE), lambda i: (0, 0)),
            pl.BlockSpec((1, D_NODE), lambda i: (0, 0)),
            pl.BlockSpec((D_NODE, D_GLOBAL), lambda i: (0, 0)),
            pl.BlockSpec((D_EDGE, D_GLOBAL), lambda i: (0, 0)),
            pl.BlockSpec((D_GLOBAL, D_GLOBAL), lambda i: (0, 0)),
            pl.BlockSpec((1, D_GLOBAL), lambda i: (0, 0)),
            pl.BlockSpec((1, D_GLOBAL), lambda i: (0, 0)),
        ],
        out_specs=[
            pl.BlockSpec((blk, D_NODE), lambda i: (i, 0)),
            pl.BlockSpec((1, D_GLOBAL), lambda i: (0, 0)),
        ],
        out_shape=[
            jax.ShapeDtypeStruct((N_NODES, D_NODE), jnp.float32),
            jax.ShapeDtypeStruct((1, D_GLOBAL), jnp.float32),
        ],
        scratch_shapes=[
            pltpu.VMEM((1, D_NODE), jnp.float32),
            pltpu.VMEM((1, D_EDGE), jnp.float32),
        ],
    )(agg_parts, P, Wn_a, b_node, Wg_n, Wg_e, Wg_g, b_global, global_attr)


def kernel(node_attr, edge_index, edge_attr, global_attr,
           W_edge, b_edge, W_node, b_node, W_global, b_global):
    We_r = W_edge[:D_NODE]
    We_c = W_edge[D_NODE:2 * D_NODE]
    We_e = W_edge[2 * D_NODE:2 * D_NODE + D_EDGE]
    We_g = W_edge[2 * D_NODE + D_EDGE:]
    Wn_n = W_node[:D_NODE]
    Wn_a = W_node[D_NODE:]
    Wg_n = W_global[:D_NODE]
    Wg_e = W_global[D_NODE:D_NODE + D_EDGE]
    Wg_g = W_global[D_NODE + D_EDGE:]

    A, B, P = _tc_nodes(node_attr, We_r, We_c, Wn_n)
    ea_packed = edge_attr.reshape(N_EP, 128)
    W_bd = jnp.kron(jnp.eye(PACK, dtype=jnp.float32), We_e)
    E_packed = _tc_edges(ea_packed, W_bd, global_attr, We_g,
                         b_edge.reshape(1, D_EDGE))

    ei = edge_index.astype(jnp.int32)
    new_edge, agg_parts = _sc_edge(A, B, E_packed, ei)

    new_node, new_global = _tc_node_global(
        agg_parts, P, Wn_a, b_node.reshape(1, D_NODE),
        Wg_n, Wg_e, Wg_g, b_global.reshape(1, D_GLOBAL), global_attr)

    return new_node, new_edge, new_global

# --- scband reference (transcript-rebuilt; emitter-appended) ---
"""Pipeline reference for scband-graph-network-27908697489910 (READ-ONLY COPY).

The authoritative reference and input builder live on the scoring server;
editing this copy changes nothing except your own understanding.
"""

import jax, jax.numpy as jnp
import numpy as np

N_NODES = 10000
N_EDGES = 320000
D_NODE = 128
D_EDGE = 16
D_GLOBAL = 32


def setup_inputs(seed: int = 0) -> dict:
    key = jax.random.key(seed)
    k1, k2, k3, k4, k5, k6, k7, k8, k9, k10 = jax.random.split(key, 10)
    node_attr = jax.random.normal(k1, (N_NODES, D_NODE), dtype=jnp.float32)
    edge_index = jax.random.randint(k2, (2, N_EDGES), 0, N_NODES, dtype=jnp.int64)
    edge_attr = jax.random.normal(k3, (N_EDGES, D_EDGE), dtype=jnp.float32)
    global_attr = jax.random.normal(k4, (1, D_GLOBAL), dtype=jnp.float32)
    # edge model: concat(x_row, x_col, edge_attr, global) -> D_EDGE
    d_e_in = 2 * D_NODE + D_EDGE + D_GLOBAL
    W_edge = jax.random.normal(k5, (d_e_in, D_EDGE), dtype=jnp.float32) / np.sqrt(d_e_in)
    b_edge = jnp.zeros((D_EDGE,), dtype=jnp.float32)
    # node model: concat(node_attr, agg_edges) -> D_NODE
    d_n_in = D_NODE + D_EDGE
    W_node = jax.random.normal(k6, (d_n_in, D_NODE), dtype=jnp.float32) / np.sqrt(d_n_in)
    b_node = jnp.zeros((D_NODE,), dtype=jnp.float32)
    # global model: concat(mean(nodes), mean(edges), global) -> D_GLOBAL
    d_g_in = D_NODE + D_EDGE + D_GLOBAL
    W_global = jax.random.normal(k7, (d_g_in, D_GLOBAL), dtype=jnp.float32) / np.sqrt(d_g_in)
    b_global = jnp.zeros((D_GLOBAL,), dtype=jnp.float32)
    return {
        'node_attr': node_attr,
        'edge_index': edge_index,
        'edge_attr': edge_attr,
        'global_attr': global_attr,
        'W_edge': W_edge,
        'b_edge': b_edge,
        'W_node': W_node,
        'b_node': b_node,
        'W_global': W_global,
        'b_global': b_global,
    }


def reference(node_attr, edge_index, edge_attr, global_attr,
              W_edge, b_edge, W_node, b_node, W_global, b_global):
    row = edge_index[0]
    col = edge_index[1]
    n_edges = edge_attr.shape[0]
    n_nodes = node_attr.shape[0]
    # --- edge model ---
    g_per_edge = jnp.broadcast_to(global_attr, (n_edges, global_attr.shape[-1]))
    e_in = jnp.concatenate([node_attr[row], node_attr[col], edge_attr, g_per_edge], axis=-1)
    new_edge_attr = jax.nn.relu(e_in @ W_edge + b_edge)
    # --- node model: scatter-add edges to dst (col) nodes ---
    agg = jax.ops.segment_sum(new_edge_attr, col, num_segments=n_nodes)
    n_in = jnp.concatenate([node_attr, agg], axis=-1)
    new_node_attr = jax.nn.relu(n_in @ W_node + b_node)
    # --- global model ---
    g_in = jnp.concatenate([
        jnp.mean(new_node_attr, axis=0, keepdims=True),
        jnp.mean(new_edge_attr, axis=0, keepdims=True),
        global_attr,
    ], axis=-1)
    new_global_attr = g_in @ W_global + b_global
    return (new_node_attr, new_edge_attr, new_global_attr)

if __name__ == "__main__":
    import jax
    _d = setup_inputs()
    print(jax.jit(kernel)(*tuple(_d.values())))

</pallas_src>

<mosaic_0001>
#map = affine_map<(d0, d1) -> (0, 0)>
#map1 = affine_map<(d0, d1) -> (0, 0, 0)>
module attributes {stable_mosaic.version = 14 : i64} {
  func.func @_sc_edge_body(%arg0: i32, %arg1: i32, %arg2: memref<10000x16xf32, #tpu.memory_space<hbm>>, %arg3: memref<10000x16xf32, #tpu.memory_space<hbm>>, %arg4: memref<40000x128xf32, #tpu.memory_space<hbm>>, %arg5: memref<2x320000xi32, #tpu.memory_space<hbm>>, %arg6: memref<320000x16xf32, #tpu.memory_space<hbm>>, %arg7: memref<2x10240x16xf32, #tpu.memory_space<hbm>>, %arg8: memref<10000xi32, #tpu.memory_space<vmem>>, %arg9: memref<10000xi32, #tpu.memory_space<vmem>>, %arg10: memref<2x400x16xf32, #tpu.memory_space<vmem>>, %arg11: memref<2x400x16xf32, #tpu.memory_space<vmem>>, %arg12: memref<2x50x128xf32, #tpu.memory_space<vmem>>, %arg13: memref<2x400x16xf32, #tpu.memory_space<vmem>>, %arg14: memref<640x16xf32, #tpu.memory_space<vmem>>, %arg15: memref<10240x16xf32, #tpu.memory_space<vmem_shared>>, %arg16: memref<!tpu.dma_semaphore, #tpu.memory_space<semaphore_mem>>, %arg17: memref<!tpu.dma_semaphore, #tpu.memory_space<semaphore_mem>>, %arg18: memref<!tpu.dma_semaphore, #tpu.memory_space<semaphore_mem>>, %arg19: memref<!tpu.dma_semaphore, #tpu.memory_space<semaphore_mem>>, %arg20: memref<!tpu.dma_semaphore, #tpu.memory_space<semaphore_mem>>, %arg21: memref<!tpu.dma_semaphore, #tpu.memory_space<semaphore_mem>>, %arg22: memref<!tpu.dma_semaphore, #tpu.memory_space<semaphore_mem>>, %arg23: memref<!tpu.dma_semaphore, #tpu.memory_space<semaphore_mem>>) attributes {dimension_semantics = [#tpu.dimension_semantics<core_parallel>, #tpu.dimension_semantics<subcore_parallel>], iteration_bounds = array<i64: 2, 16>, scalar_prefetch = 0 : i64, scratch_operands = 16 : i64, tpu.core_type = #tpu.core_type<sc_vector_subcore>, window_params = [{transform_indices = #map}, {transform_indices = #map}, {transform_indices = #map}, {transform_indices = #map}, {transform_indices = #map}, {transform_indices = #map1}]} {
    %mul3A = arith.constant 2 : i32
    %mul3A_0 = arith.muli %arg1, %mul3A : i32
    %add3A = arith.addi %mul3A_0, %arg0 : i32
    %mul3A_1 = arith.constant 10000 : i32
    %mul3A_2 = arith.muli %add3A, %mul3A_1 : i32
    %mul3A_3 = arith.constant 1250 : i32
    %mul3A_4 = arith.muli %add3A, %mul3A_3 : i32
    %scan3A = arith.constant 0 : i32
    %scan3A_5 = arith.constant 0 : i32
    %scan3A_6 = arith.constant 640 : i32
    %scan3A_7 = arith.addi %scan3A_5, %scan3A_6 : i32
    %scan3A_8 = arith.constant 8 : i32
    %scan3A_9 = scf.for %scan3A_89 = %scan3A_5 to %scan3A_7 step %scan3A_8 iter_args(%scan3A_90 = %scan3A) -> (i32)  : i32 {
      %broadcast_in_dim3A = arith.constant 0.000000e+00 : f32
      %broadcast_in_dim3A_91 = vector.broadcast %broadcast_in_dim3A : f32 to vector<16xf32>
      %swap3A = arith.index_cast %scan3A_89 : i32 to index
      %swap3A_92 = arith.constant 0 : index
      %swap3A_93 = tpu.vector_load %arg14[%swap3A, %swap3A_92] {strides = array<i32>} : memref<640x16xf32, #tpu.memory_space<vmem>>, vector<1x16xf32>,
      %swap3A_94 = vector.shape_cast %swap3A_93 : vector<1x16xf32> to vector<16xf32>
      %swap3A_95 = vector.shape_cast %broadcast_in_dim3A_91 : vector<16xf32> to vector<1x16xf32>
      tpu.vector_store %arg14[%swap3A, %swap3A_92], %swap3A_95 {strides = array<i32>} : memref<640x16xf32, #tpu.memory_space<vmem>>, vector<1x16xf32>,
      %scan3A_96 = arith.constant 0 : i32
      %scan3A_97 = arith.constant 1 : i32
      %scan3A_98 = arith.addi %scan3A_89, %scan3A_97 : i32
      %broadcast_in_dim3A_99 = arith.constant 0.000000e+00 : f32
      %broadcast_in_dim3A_100 = vector.broadcast %broadcast_in_dim3A_99 : f32 to vector<16xf32>
      %swap3A_101 = arith.index_cast %scan3A_98 : i32 to index
      %swap3A_102 = arith.constant 0 : index
      %swap3A_103 = tpu.vector_load %arg14[%swap3A_101, %swap3A_102] {strides = array<i32>} : memref<640x16xf32, #tpu.memory_space<vmem>>, vector<1x16xf32>,
      %swap3A_104 = vector.shape_cast %swap3A_103 : vector<1x16xf32> to vector<16xf32>
      %swap3A_105 = vector.shape_cast %broadcast_in_dim3A_100 : vector<16xf32> to vector<1x16xf32>
      tpu.vector_store %arg14[%swap3A_101, %swap3A_102], %swap3A_105 {strides = array<i32>} : memref<640x16xf32, #tpu.memory_space<vmem>>, vector<1x16xf32>,
      %scan3A_106 = arith.constant 0 : i32
      %scan3A_107 = arith.constant 2 : i32
      %scan3A_108 = arith.addi %scan3A_89, %scan3A_107 : i32
      %broadcast_in_dim3A_109 = arith.constant 0.000000e+00 : f32
      %broadcast_in_dim3A_110 = vector.broadcast %broadcast_in_dim3A_109 : f32 to vector<16xf32>
      %swap3A_111 = arith.index_cast %scan3A_108 : i32 to index
      %swap3A_112 = arith.constant 0 : index
      %swap3A_113 = tpu.vector_load %arg14[%swap3A_111, %swap3A_112] {strides = array<i32>} : memref<640x16xf32, #tpu.memory_space<vmem>>, vector<1x16xf32>,
      %swap3A_114 = vector.shape_cast %swap3A_113 : vector<1x16xf32> to vector<16xf32>
      %swap3A_115 = vector.shape_cast %broadcast_in_dim3A_110 : vector<16xf32> to vector<1x16xf32>
      tpu.vector_store %arg14[%swap3A_111, %swap3A_112], %swap3A_115 {strides = array<i32>} : memref<640x16xf32, #tpu.memory_space<vmem>>, vector<1x16xf32>,
      %scan3A_116 = arith.constant 0 : i32
      %scan3A_117 = arith.constant 3 : i32
      %scan3A_118 = arith.addi %scan3A_89, %scan3A_117 : i32
      %broadcast_in_dim3A_119 = arith.constant 0.000000e+00 : f32
      %broadcast_in_dim3A_120 = vector.broadcast %broadcast_in_dim3A_119 : f32 to vector<16xf32>
      %swap3A_121 = arith.index_cast %scan3A_118 : i32 to index
      %swap3A_122 = arith.constant 0 : index
      %swap3A_123 = tpu.vector_load %arg14[%swap3A_121, %swap3A_122] {strides = array<i32>} : memref<640x16xf32, #tpu.memory_space<vmem>>, vector<1x16xf32>,
      %swap3A_124 = vector.shape_cast %swap3A_123 : vector<1x16xf32> to vector<16xf32>
      %swap3A_125 = vector.shape_cast %broadcast_in_dim3A_120 : vector<16xf32> to vector<1x16xf32>
      tpu.vector_store %arg14[%swap3A_121, %swap3A_122], %swap3A_125 {strides = array<i32>} : memref<640x16xf32, #tpu.memory_space<vmem>>, vector<1x16xf32>,
      %scan3A_126 = arith.constant 0 : i32
      %scan3A_127 = arith.constant 4 : i32
      %scan3A_128 = arith.addi %scan3A_89, %scan3A_127 : i32
      %broadcast_in_dim3A_129 = arith.constant 0.000000e+00 : f32
      %broadcast_in_dim3A_130 = vector.broadcast %broadcast_in_dim3A_129 : f32 to vector<16xf32>
      %swap3A_131 = arith.index_cast %scan3A_128 : i32 to index
      %swap3A_132 = arith.constant 0 : index
      %swap3A_133 = tpu.vector_load %arg14[%swap3A_131, %swap3A_132] {strides = array<i32>} : memref<640x16xf32, #tpu.memory_space<vmem>>, vector<1x16xf32>,
      %swap3A_134 = vector.shape_cast %swap3A_133 : vector<1x16xf32> to vector<16xf32>
      %swap3A_135 = vector.shape_cast %broadcast_in_dim3A_130 : vector<16xf32> to vector<1x16xf32>
      tpu.vector_store %arg14[%swap3A_131, %swap3A_132], %swap3A_135 {strides = array<i32>} : memref<640x16xf32, #tpu.memory_space<vmem>>, vector<1x16xf32>,
      %scan3A_136 = arith.constant 0 : i32
      %scan3A_137 = arith.constant 5 : i32
      %scan3A_138 = arith.addi %scan3A_89, %scan3A_137 : i32
      %broadcast_in_dim3A_139 = arith.constant 0.000000e+00 : f32
      %broadcast_in_dim3A_140 = vector.broadcast %broadcast_in_dim3A_139 : f32 to vector<16xf32>
      %swap3A_141 = arith.index_cast %scan3A_138 : i32 to index
      %swap3A_142 = arith.constant 0 : index
      %swap3A_143 = tpu.vector_load %arg14[%swap3A_141, %swap3A_142] {strides = array<i32>} : memref<640x16xf32, #tpu.memory_space<vmem>>, vector<1x16xf32>,
      %swap3A_144 = vector.shape_cast %swap3A_143 : vector<1x16xf32> to vector<16xf32>
      %swap3A_145 = vector.shape_cast %broadcast_in_dim3A_140 : vector<16xf32> to vector<1x16xf32>
      tpu.vector_store %arg14[%swap3A_141, %swap3A_142], %swap3A_145 {strides = array<i32>} : memref<640x16xf32, #tpu.memory_space<vmem>>, vector<1x16xf32>,
      %scan3A_146 = arith.constant 0 : i32
      %scan3A_147 = arith.constant 6 : i32
      %scan3A_148 = arith.addi %scan3A_89, %scan3A_147 : i32
      %broadcast_in_dim3A_149 = arith.constant 0.000000e+00 : f32
      %broadcast_in_dim3A_150 = vector.broadcast %broadcast_in_dim3A_149 : f32 to vector<16xf32>
      %swap3A_151 = arith.index_cast %scan3A_148 : i32 to index
      %swap3A_152 = arith.constant 0 : index
      %swap3A_153 = tpu.vector_load %arg14[%swap3A_151, %swap3A_152] {strides = array<i32>} : memref<640x16xf32, #tpu.memory_space<vmem>>, vector<1x16xf32>,
      %swap3A_154 = vector.shape_cast %swap3A_153 : vector<1x16xf32> to vector<16xf32>
      %swap3A_155 = vector.shape_cast %broadcast_in_dim3A_150 : vector<16xf32> to vector<1x16xf32>
      tpu.vector_store %arg14[%swap3A_151, %swap3A_152], %swap3A_155 {strides = array<i32>} : memref<640x16xf32, #tpu.memory_space<vmem>>, vector<1x16xf32>,
      %scan3A_156 = arith.constant 0 : i32
      %scan3A_157 = arith.constant 7 : i32
      %scan3A_158 = arith.addi %scan3A_89, %scan3A_157 : i32
      %broadcast_in_dim3A_159 = arith.constant 0.000000e+00 : f32
      %broadcast_in_dim3A_160 = vector.broadcast %broadcast_in_dim3A_159 : f32 to vector<16xf32>
      %swap3A_161 = arith.index_cast %scan3A_158 : i32 to index
      %swap3A_162 = arith.constant 0 : index
      %swap3A_163 = tpu.vector_load %arg14[%swap3A_161, %swap3A_162] {strides = array<i32>} : memref<640x16xf32, #tpu.memory_space<vmem>>, vector<1x16xf32>,
      %swap3A_164 = vector.shape_cast %swap3A_163 : vector<1x16xf32> to vector<16xf32>
      %swap3A_165 = vector.shape_cast %broadcast_in_dim3A_160 : vector<16xf32> to vector<1x16xf32>
      tpu.vector_store %arg14[%swap3A_161, %swap3A_162], %swap3A_165 {strides = array<i32>} : memref<640x16xf32, #tpu.memory_space<vmem>>, vector<1x16xf32>,
      %scan3A_166 = arith.constant 0 : i32
      scf.yield %scan3A_166 : i32
    }
    %scan3A_10 = arith.constant 640 : i32
    %mul3A_11 = arith.constant 640 : i32
    %mul3A_12 = arith.muli %arg1, %mul3A_11 : i32
    "tpu.region"() ({
      %run_scoped3A_89 = tpu.sem_alloc : memref<!tpu.dma_semaphore, #tpu.memory_space<semaphore_mem>>
      %dma_start3A_90 = arith.constant 0 : i32
      %dma_start3A_91 = tpu.memref_slice %arg15[%mul3A_12, %dma_start3A_90] : memref<10240x16xf32, #tpu.memory_space<vmem_shared>> -> memref<640x16xf32, #tpu.memory_space<vmem_shared>>
      %dma_start3A_92 = arith.constant 0 : i32
      %dma_start3A_93 = tpu.memref_slice %arg15[%mul3A_12, %dma_start3A_92] : memref<10240x16xf32, #tpu.memory_space<vmem_shared>> -> memref<640x16xf32, #tpu.memory_space<vmem_shared>>
      tpu.enqueue_dma source(%arg14 : memref<640x16xf32, #tpu.memory_space<vmem>>) target(%dma_start3A_93 : memref<640x16xf32, #tpu.memory_space<vmem_shared>>) target_semaphore(%run_scoped3A_89 : memref<!tpu.dma_semaphore, #tpu.memory_space<semaphore_mem>>)
      %dma_wait3A_94 = arith.constant 0 : i32
      %dma_wait3A_95 = tpu.memref_slice %arg15[%mul3A_12, %dma_wait3A_94] : memref<10240x16xf32, #tpu.memory_space<vmem_shared>> -> memref<640x16xf32, #tpu.memory_space<vmem_shared>>
      %dma_wait3A_96 = arith.constant 0 : i32
      %dma_wait3A_97 = tpu.memref_slice %arg15[%mul3A_12, %dma_wait3A_96] : memref<10240x16xf32, #tpu.memory_space<vmem_shared>> -> memref<640x16xf32, #tpu.memory_space<vmem_shared>>
      tpu.wait_dma2 semaphore(%run_scoped3A_89 : memref<!tpu.dma_semaphore, #tpu.memory_space<semaphore_mem>>) src(%arg14 : memref<640x16xf32, #tpu.memory_space<vmem>>) dst(%dma_wait3A_97 : memref<640x16xf32, #tpu.memory_space<vmem_shared>>)
      tpu.yield
    }) : () -> ()
    %run_scoped3A = arith.constant 0 : i32
    "tpu.region"() ({
      %run_scoped3A_89 = tpu.sem_alloc : memref<!tpu.dma_semaphore, #tpu.memory_space<semaphore_mem>>
      %dma_start3A_90 = tpu.memref_slice %arg5[%run_scoped3A, %mul3A_2] : memref<2x320000xi32, #tpu.memory_space<hbm>> -> memref<1x10000xi32, #tpu.memory_space<hbm>>
      %dma_start3A_91 = tpu.memref_squeeze %dma_start3A_90 : memref<1x10000xi32, #tpu.memory_space<hbm>> -> memref<10000xi32, #tpu.memory_space<hbm>>
      %dma_start3A_92 = tpu.memref_slice %arg5[%run_scoped3A, %mul3A_2] : memref<2x320000xi32, #tpu.memory_space<hbm>> -> memref<1x10000xi32, #tpu.memory_space<hbm>>
      %dma_start3A_93 = tpu.memref_squeeze %dma_start3A_92 : memref<1x10000xi32, #tpu.memory_space<hbm>> -> memref<10000xi32, #tpu.memory_space<hbm>>
      tpu.enqueue_dma source(%dma_start3A_93 : memref<10000xi32, #tpu.memory_space<hbm>>) target(%arg8 : memref<10000xi32, #tpu.memory_space<vmem>>) target_semaphore(%run_scoped3A_89 : memref<!tpu.dma_semaphore, #tpu.memory_space<semaphore_mem>>)
      %dma_wait3A_94 = tpu.memref_slice %arg5[%run_scoped3A, %mul3A_2] : memref<2x320000xi32, #tpu.memory_space<hbm>> -> memref<1x10000xi32, #tpu.memory_space<hbm>>
      %dma_wait3A_95 = tpu.memref_squeeze %dma_wait3A_94 : memref<1x10000xi32, #tpu.memory_space<hbm>> -> memref<10000xi32, #tpu.memory_space<hbm>>
      %dma_wait3A_96 = tpu.memref_slice %arg5[%run_scoped3A, %mul3A_2] : memref<2x320000xi32, #tpu.memory_space<hbm>> -> memref<1x10000xi32, #tpu.memory_space<hbm>>
      %dma_wait3A_97 = tpu.memref_squeeze %dma_wait3A_96 : memref<1x10000xi32, #tpu.memory_space<hbm>> -> memref<10000xi32, #tpu.memory_space<hbm>>
      tpu.wait_dma2 semaphore(%run_scoped3A_89 : memref<!tpu.dma_semaphore, #tpu.memory_space<semaphore_mem>>) src(%dma_wait3A_97 : memref<10000xi32, #tpu.memory_space<hbm>>) dst(%arg8 : memref<10000xi32, #tpu.memory_space<vmem>>)
      tpu.yield
    }) : () -> ()
    %run_scoped3A_13 = arith.constant 1 : i32
    "tpu.region"() ({
      %run_scoped3A_89 = tpu.sem_alloc : memref<!tpu.dma_semaphore, #tpu.memory_space<semaphore_mem>>
      %dma_start3A_90 = tpu.memref_slice %arg5[%run_scoped3A_13, %mul3A_2] : memref<2x320000xi32, #tpu.memory_space<hbm>> -> memref<1x10000xi32, #tpu.memory_space<hbm>>
      %dma_start3A_91 = tpu.memref_squeeze %dma_start3A_90 : memref<1x10000xi32, #tpu.memory_space<hbm>> -> memref<10000xi32, #tpu.memory_space<hbm>>
      %dma_start3A_92 = tpu.memref_slice %arg5[%run_scoped3A_13, %mul3A_2] : memref<2x320000xi32, #tpu.memory_space<hbm>> -> memref<1x10000xi32, #tpu.memory_space<hbm>>
      %dma_start3A_93 = tpu.memref_squeeze %dma_start3A_92 : memref<1x10000xi32, #tpu.memory_space<hbm>> -> memref<10000xi32, #tpu.memory_space<hbm>>
      tpu.enqueue_dma source(%dma_start3A_93 : memref<10000xi32, #tpu.memory_space<hbm>>) target(%arg9 : memref<10000xi32, #tpu.memory_space<vmem>>) target_semaphore(%run_scoped3A_89 : memref<!tpu.dma_semaphore, #tpu.memory_space<semaphore_mem>>)
      %dma_wait3A_94 = tpu.memref_slice %arg5[%run_scoped3A_13, %mul3A_2] : memref<2x320000xi32, #tpu.memory_space<hbm>> -> memref<1x10000xi32, #tpu.memory_space<hbm>>
      %dma_wait3A_95 = tpu.memref_squeeze %dma_wait3A_94 : memref<1x10000xi32, #tpu.memory_space<hbm>> -> memref<10000xi32, #tpu.memory_space<hbm>>
      %dma_wait3A_96 = tpu.memref_slice %arg5[%run_scoped3A_13, %mul3A_2] : memref<2x320000xi32, #tpu.memory_space<hbm>> -> memref<1x10000xi32, #tpu.memory_space<hbm>>
      %dma_wait3A_97 = tpu.memref_squeeze %dma_wait3A_96 : memref<1x10000xi32, #tpu.memory_space<hbm>> -> memref<10000xi32, #tpu.memory_space<hbm>>
      tpu.wait_dma2 semaphore(%run_scoped3A_89 : memref<!tpu.dma_semaphore, #tpu.memory_space<semaphore_mem>>) src(%dma_wait3A_97 : memref<10000xi32, #tpu.memory_space<hbm>>) dst(%arg9 : memref<10000xi32, #tpu.memory_space<vmem>>)
      tpu.yield
    }) : () -> ()
    %dma_start3A = arith.constant 0 : i32
    %dma_start3A_14 = arith.constant 0 : i32
    %dma_start3A_15 = arith.constant 0 : i32
    %dma_start3A_16 = tpu.memref_slice %arg10[%dma_start3A, %dma_start3A_14, %dma_start3A_15] : memref<2x400x16xf32, #tpu.memory_space<vmem>> -> memref<1x400x16xf32, #tpu.memory_space<vmem>>
    %dma_start3A_17 = tpu.memref_squeeze %dma_start3A_16 : memref<1x400x16xf32, #tpu.memory_space<vmem>> -> memref<400x16xf32, #tpu.memory_space<vmem>>
    %dma_start3A_18 = arith.constant 0 : i32
    %dma_start3A_19 = tpu.memref_slice %arg8[%dma_start3A_18] : memref<10000xi32, #tpu.memory_space<vmem>> -> memref<400xi32, #tpu.memory_space<vmem>>
    %dma_start3A_20 = arith.constant 0 : i32
    %dma_start3A_21 = arith.constant 0 : i32
    %dma_start3A_22 = tpu.memref_slice %arg2[%dma_start3A_20, %dma_start3A_21] : memref<10000x16xf32, #tpu.memory_space<hbm>> -> memref<10000x16xf32, #tpu.memory_space<hbm>>
    tpu.enqueue_indirect_dma source(%dma_start3A_22 : memref<10000x16xf32, #tpu.memory_space<hbm>>) target(%dma_start3A_17 : memref<400x16xf32, #tpu.memory_space<vmem>>) offsets(%dma_start3A_19 : memref<400xi32, #tpu.memory_space<vmem>>) semaphore(%arg16 : memref<!tpu.dma_semaphore, #tpu.memory_space<semaphore_mem>>)
    %dma_start3A_23 = arith.constant 0 : i32
    %dma_start3A_24 = arith.constant 0 : i32
    %dma_start3A_25 = arith.constant 0 : i32
    %dma_start3A_26 = tpu.memref_slice %arg11[%dma_start3A_23, %dma_start3A_24, %dma_start3A_25] : memref<2x400x16xf32, #tpu.memory_space<vmem>> -> memref<1x400x16xf32, #tpu.memory_space<vmem>>
    %dma_start3A_27 = tpu.memref_squeeze %dma_start3A_26 : memref<1x400x16xf32, #tpu.memory_space<vmem>> -> memref<400x16xf32, #tpu.memory_space<vmem>>
    %dma_start3A_28 = arith.constant 0 : i32
    %dma_start3A_29 = tpu.memref_slice %arg9[%dma_start3A_28] : memref<10000xi32, #tpu.memory_space<vmem>> -> memref<400xi32, #tpu.memory_space<vmem>>
    %dma_start3A_30 = arith.constant 0 : i32
    %dma_start3A_31 = arith.constant 0 : i32
    %dma_start3A_32 = tpu.memref_slice %arg3[%dma_start3A_30, %dma_start3A_31] : memref<10000x16xf32, #tpu.memory_space<hbm>> -> memref<10000x16xf32, #tpu.memory_space<hbm>>
    tpu.enqueue_indirect_dma source(%dma_start3A_32 : memref<10000x16xf32, #tpu.memory_space<hbm>>) target(%dma_start3A_27 : memref<400x16xf32, #tpu.memory_space<vmem>>) offsets(%dma_start3A_29 : memref<400xi32, #tpu.memory_space<vmem>>) semaphore(%arg18 : memref<!tpu.dma_semaphore, #tpu.memory_space<semaphore_mem>>)
    %add3A_33 = arith.constant 0 : i32
    %add3A_34 = arith.addi %mul3A_4, %add3A_33 : i32
    %dma_start3A_35 = arith.constant 0 : i32
    %dma_start3A_36 = arith.constant 0 : i32
    %dma_start3A_37 = arith.constant 0 : i32
    %dma_start3A_38 = tpu.memref_slice %arg12[%dma_start3A_35, %dma_start3A_36, %dma_start3A_37] : memref<2x50x128xf32, #tpu.memory_space<vmem>> -> memref<1x50x128xf32, #tpu.memory_space<vmem>>
    %dma_start3A_39 = tpu.memref_squeeze %dma_start3A_38 : memref<1x50x128xf32, #tpu.memory_space<vmem>> -> memref<50x128xf32, #tpu.memory_space<vmem>>
    %dma_start3A_40 = arith.constant 0 : i32
    %dma_start3A_41 = tpu.memref_slice %arg4[%add3A_34, %dma_start3A_40] : memref<40000x128xf32, #tpu.memory_space<hbm>> -> memref<50x128xf32, #tpu.memory_space<hbm>>
    %dma_start3A_42 = arith.constant 0 : i32
    %dma_start3A_43 = arith.constant 0 : i32
    %dma_start3A_44 = tpu.memref_slice %arg12[%dma_start3A_35, %dma_start3A_42, %dma_start3A_43] : memref<2x50x128xf32, #tpu.memory_space<vmem>> -> memref<1x50x128xf32, #tpu.memory_space<vmem>>
    %dma_start3A_45 = tpu.memref_squeeze %dma_start3A_44 : memref<1x50x128xf32, #tpu.memory_space<vmem>> -> memref<50x128xf32, #tpu.memory_space<vmem>>
    %dma_start3A_46 = arith.constant 0 : i32
    %dma_start3A_47 = tpu.memref_slice %arg4[%add3A_34, %dma_start3A_46] : memref<40000x128xf32, #tpu.memory_space<hbm>> -> memref<50x128xf32, #tpu.memory_space<hbm>>
    tpu.enqueue_dma source(%dma_start3A_47 : memref<50x128xf32, #tpu.memory_space<hbm>>) target(%dma_start3A_45 : memref<50x128xf32, #tpu.memory_space<vmem>>) target_semaphore(%arg20 : memref<!tpu.dma_semaphore, #tpu.memory_space<semaphore_mem>>)
    %barrier3A = arith.constant 0 : index
    tpu.barrier barrier_id(%barrier3A)
    %scan3A_48 = arith.constant 0 : i32
    %scan3A_49 = arith.constant 0 : i32
    %scan3A_50 = arith.constant 13 : i32
    %scan3A_51 = arith.addi %scan3A_49, %scan3A_50 : i32
    %scan3A_52 = arith.constant 1 : i32
    %scan3A_53 = scf.for %scan3A_89 = %scan3A_49 to %scan3A_51 step %scan3A_52 iter_args(%scan3A_90 = %scan3A_48) -> (i32)  : i32 {
      %mul3A_91 = arith.constant 2 : i32
      %mul3A_92 = arith.muli %scan3A_89, %mul3A_91 : i32
      %add3A_93 = arith.constant 1 : i32
      %add3A_94 = arith.addi %mul3A_92, %add3A_93 : i32
      %lt3A = arith.constant 25 : i32
      %lt3A_95 = arith.cmpi slt, %add3A_94, %lt3A : i32
      %convert_element_type3A = arith.extui %lt3A_95 : i1 to i32
      %cond3A = arith.constant 0 : i32
      %cond3A_96 = arith.cmpi ne, %convert_element_type3A, %cond3A : i32
      scf.if %cond3A_96 {
        %add3A_180 = arith.constant 1 : i32
        %add3A_181 = arith.addi %mul3A_92, %add3A_180 : i32
        %mul3A_182 = arith.constant 400 : i32
        %mul3A_183 = arith.muli %add3A_181, %mul3A_182 : i32
        %dma_start3A_184 = arith.constant 1 : i32
        %dma_start3A_185 = arith.constant 0 : i32
        %dma_start3A_186 = arith.constant 0 : i32
        %dma_start3A_187 = tpu.memref_slice %arg10[%dma_start3A_184, %dma_start3A_185, %dma_start3A_186] : memref<2x400x16xf32, #tpu.memory_space<vmem>> -> memref<1x400x16xf32, #tpu.memory_space<vmem>>
        %dma_start3A_188 = tpu.memref_squeeze %dma_start3A_187 : memref<1x400x16xf32, #tpu.memory_space<vmem>> -> memref<400x16xf32, #tpu.memory_space<vmem>>
        %dma_start3A_189 = tpu.memref_slice %arg8[%mul3A_183] : memref<10000xi32, #tpu.memory_space<vmem>> -> memref<400xi32, #tpu.memory_space<vmem>>
        %dma_start3A_190 = arith.constant 0 : i32
        %dma_start3A_191 = arith.constant 0 : i32
        %dma_start3A_192 = tpu.memref_slice %arg2[%dma_start3A_190, %dma_start3A_191] : memref<10000x16xf32, #tpu.memory_space<hbm>> -> memref<10000x16xf32, #tpu.memory_space<hbm>>
        tpu.enqueue_indirect_dma source(%dma_start3A_192 : memref<10000x16xf32, #tpu.memory_space<hbm>>) target(%dma_start3A_188 : memref<400x16xf32, #tpu.memory_space<vmem>>) offsets(%dma_start3A_189 : memref<400xi32, #tpu.memory_space<vmem>>) semaphore(%arg17 : memref<!tpu.dma_semaphore, #tpu.memory_space<semaphore_mem>>)
        %mul3A_193 = arith.constant 400 : i32
        %mul3A_194 = arith.muli %add3A_181, %mul3A_193 : i32
        %dma_start3A_195 = arith.constant 1 : i32
        %dma_start3A_196 = arith.constant 0 : i32
        %dma_start3A_197 = arith.constant 0 : i32
        %dma_start3A_198 = tpu.memref_slice %arg11[%dma_start3A_195, %dma_start3A_196, %dma_start3A_197] : memref<2x400x16xf32, #tpu.memory_space<vmem>> -> memref<1x400x16xf32, #tpu.memory_space<vmem>>
        %dma_start3A_199 = tpu.memref_squeeze %dma_start3A_198 : memref<1x400x16xf32, #tpu.memory_space<vmem>> -> memref<400x16xf32, #tpu.memory_space<vmem>>
        %dma_start3A_200 = tpu.memref_slice %arg9[%mul3A_194] : memref<10000xi32, #tpu.memory_space<vmem>> -> memref<400xi32, #tpu.memory_space<vmem>>
        %dma_start3A_201 = arith.constant 0 : i32
        %dma_start3A_202 = arith.constant 0 : i32
        %dma_start3A_203 = tpu.memref_slice %arg3[%dma_start3A_201, %dma_start3A_202] : memref<10000x16xf32, #tpu.memory_space<hbm>> -> memref<10000x16xf32, #tpu.memory_space<hbm>>
        tpu.enqueue_indirect_dma source(%dma_start3A_203 : memref<10000x16xf32, #tpu.memory_space<hbm>>) target(%dma_start3A_199 : memref<400x16xf32, #tpu.memory_space<vmem>>) offsets(%dma_start3A_200 : memref<400xi32, #tpu.memory_space<vmem>>) semaphore(%arg19 : memref<!tpu.dma_semaphore, #tpu.memory_space<semaphore_mem>>)
        %mul3A_204 = arith.constant 50 : i32
        %mul3A_205 = arith.muli %add3A_181, %mul3A_204 : i32
        %add3A_206 = arith.addi %mul3A_4, %mul3A_205 : i32
        %dma_start3A_207 = arith.constant 1 : i32
        %dma_start3A_208 = arith.constant 0 : i32
        %dma_start3A_209 = arith.constant 0 : i32
        %dma_start3A_210 = tpu.memref_slice %arg12[%dma_start3A_207, %dma_start3A_208, %dma_start3A_209] : memref<2x50x128xf32, #tpu.memory_space<vmem>> -> memref<1x50x128xf32, #tpu.memory_space<vmem>>
        %dma_start3A_211 = tpu.memref_squeeze %dma_start3A_210 : memref<1x50x128xf32, #tpu.memory_space<vmem>> -> memref<50x128xf32, #tpu.memory_space<vmem>>
        %dma_start3A_212 = arith.constant 0 : i32
        %dma_start3A_213 = tpu.memref_slice %arg4[%add3A_206, %dma_start3A_212] : memref<40000x128xf32, #tpu.memory_space<hbm>> -> memref<50x128xf32, #tpu.memory_space<hbm>>
        %dma_start3A_214 = arith.constant 0 : i32
        %dma_start3A_215 = arith.constant 0 : i32
        %dma_start3A_216 = tpu.memref_slice %arg12[%dma_start3A_207, %dma_start3A_214, %dma_start3A_215] : memref<2x50x128xf32, #tpu.memory_space<vmem>> -> memref<1x50x128xf32, #tpu.memory_space<vmem>>
        %dma_start3A_217 = tpu.memref_squeeze %dma_start3A_216 : memref<1x50x128xf32, #tpu.memory_space<vmem>> -> memref<50x128xf32, #tpu.memory_space<vmem>>
        %dma_start3A_218 = arith.constant 0 : i32
        %dma_start3A_219 = tpu.memref_slice %arg4[%add3A_206, %dma_start3A_218] : memref<40000x128xf32, #tpu.memory_space<hbm>> -> memref<50x128xf32, #tpu.memory_space<hbm>>
        tpu.enqueue_dma source(%dma_start3A_219 : memref<50x128xf32, #tpu.memory_space<hbm>>) target(%dma_start3A_217 : memref<50x128xf32, #tpu.memory_space<vmem>>) target_semaphore(%arg21 : memref<!tpu.dma_semaphore, #tpu.memory_space<semaphore_mem>>)
      } else {
      }
      %ge3A = arith.constant 2 : i32
      %ge3A_97 = arith.cmpi sge, %mul3A_92, %ge3A : i32
      %convert_element_type3A_98 = arith.extui %ge3A_97 : i1 to i32
      %cond3A_99 = arith.constant 0 : i32
      %cond3A_100 = arith.cmpi ne, %convert_element_type3A_98, %cond3A_99 : i32
      scf.if %cond3A_100 {
        %sub3A = arith.constant 2 : i32
        %sub3A_180 = arith.subi %mul3A_92, %sub3A : i32
        %mul3A_181 = arith.constant 400 : i32
        %mul3A_182 = arith.muli %sub3A_180, %mul3A_181 : i32
        %add3A_183 = arith.addi %mul3A_2, %mul3A_182 : i32
        %dma_wait3A_184 = arith.constant 0 : i32
        %dma_wait3A_185 = arith.constant 0 : i32
        %dma_wait3A_186 = arith.constant 0 : i32
        %dma_wait3A_187 = tpu.memref_slice %arg13[%dma_wait3A_184, %dma_wait3A_185, %dma_wait3A_186] : memref<2x400x16xf32, #tpu.memory_space<vmem>> -> memref<1x400x16xf32, #tpu.memory_space<vmem>>
        %dma_wait3A_188 = tpu.memref_squeeze %dma_wait3A_187 : memref<1x400x16xf32, #tpu.memory_space<vmem>> -> memref<400x16xf32, #tpu.memory_space<vmem>>
        %dma_wait3A_189 = arith.constant 0 : i32
        %dma_wait3A_190 = tpu.memref_slice %arg6[%add3A_183, %dma_wait3A_189] : memref<320000x16xf32, #tpu.memory_space<hbm>> -> memref<400x16xf32, #tpu.memory_space<hbm>>
        %dma_wait3A_191 = arith.constant 0 : i32
        %dma_wait3A_192 = tpu.memref_slice %arg6[%add3A_183, %dma_wait3A_191] : memref<320000x16xf32, #tpu.memory_space<hbm>> -> memref<400x16xf32, #tpu.memory_space<hbm>>
        %dma_wait3A_193 = arith.constant 0 : i32
        %dma_wait3A_194 = arith.constant 0 : i32
        %dma_wait3A_195 = tpu.memref_slice %arg13[%dma_wait3A_184, %dma_wait3A_193, %dma_wait3A_194] : memref<2x400x16xf32, #tpu.memory_space<vmem>> -> memref<1x400x16xf32, #tpu.memory_space<vmem>>
        %dma_wait3A_196 = tpu.memref_squeeze %dma_wait3A_195 : memref<1x400x16xf32, #tpu.memory_space<vmem>> -> memref<400x16xf32, #tpu.memory_space<vmem>>
        tpu.wait_dma2 semaphore(%arg22 : memref<!tpu.dma_semaphore, #tpu.memory_space<semaphore_mem>>) src(%dma_wait3A_196 : memref<400x16xf32, #tpu.memory_space<vmem>>) dst(%dma_wait3A_192 : memref<400x16xf32, #tpu.memory_space<hbm>>)
      } else {
      }
      %mul3A_101 = arith.constant 400 : i32
      %mul3A_102 = arith.muli %mul3A_92, %mul3A_101 : i32
      %dma_wait3A_103 = arith.constant 0 : i32
      %dma_wait3A_104 = arith.constant 0 : i32
      %dma_wait3A_105 = arith.constant 0 : i32
      %dma_wait3A_106 = tpu.memref_slice %arg10[%dma_wait3A_103, %dma_wait3A_104, %dma_wait3A_105] : memref<2x400x16xf32, #tpu.memory_space<vmem>> -> memref<1x400x16xf32, #tpu.memory_space<vmem>>
      %dma_wait3A_107 = tpu.memref_squeeze %dma_wait3A_106 : memref<1x400x16xf32, #tpu.memory_space<vmem>> -> memref<400x16xf32, #tpu.memory_space<vmem>>
      %dma_wait3A_108 = tpu.memref_slice %arg8[%mul3A_102] : memref<10000xi32, #tpu.memory_space<vmem>> -> memref<400xi32, #tpu.memory_space<vmem>>
      %dma_wait3A_109 = arith.constant 0 : i32
      %dma_wait3A_110 = arith.constant 0 : i32
      %dma_wait3A_111 = tpu.memref_slice %arg2[%dma_wait3A_109, %dma_wait3A_110] : memref<10000x16xf32, #tpu.memory_space<hbm>> -> memref<10000x16xf32, #tpu.memory_space<hbm>>
      tpu.wait_indirect_dma semaphore(%arg16 : memref<!tpu.dma_semaphore, #tpu.memory_space<semaphore_mem>>) src(%dma_wait3A_111 : memref<10000x16xf32, #tpu.memory_space<hbm>>) dst(%dma_wait3A_107 : memref<400x16xf32, #tpu.memory_space<vmem>>)
      %mul3A_112 = arith.constant 400 : i32
      %mul3A_113 = arith.muli %mul3A_92, %mul3A_112 : i32
      %dma_wait3A_114 = arith.constant 0 : i32
      %dma_wait3A_115 = arith.constant 0 : i32
      %dma_wait3A_116 = arith.constant 0 : i32
      %dma_wait3A_117 = tpu.memref_slice %arg11[%dma_wait3A_114, %dma_wait3A_115, %dma_wait3A_116] : memref<2x400x16xf32, #tpu.memory_space<vmem>> -> memref<1x400x16xf32, #tpu.memory_space<vmem>>
      %dma_wait3A_118 = tpu.memref_squeeze %dma_wait3A_117 : memref<1x400x16xf32, #tpu.memory_space<vmem>> -> memref<400x16xf32, #tpu.memory_space<vmem>>
      %dma_wait3A_119 = tpu.memref_slice %arg9[%mul3A_113] : memref<10000xi32, #tpu.memory_space<vmem>> -> memref<400xi32, #tpu.memory_space<vmem>>
      %dma_wait3A_120 = arith.constant 0 : i32
      %dma_wait3A_121 = arith.constant 0 : i32
      %dma_wait3A_122 = tpu.memref_slice %arg3[%dma_wait3A_120, %dma_wait3A_121] : memref<10000x16xf32, #tpu.memory_space<hbm>> -> memref<10000x16xf32, #tpu.memory_space<hbm>>
      tpu.wait_indirect_dma semaphore(%arg18 : memref<!tpu.dma_semaphore, #tpu.memory_space<semaphore_mem>>) src(%dma_wait3A_122 : memref<10000x16xf32, #tpu.memory_space<hbm>>) dst(%dma_wait3A_118 : memref<400x16xf32, #tpu.memory_space<vmem>>)
      %mul3A_123 = arith.constant 50 : i32
      %mul3A_124 = arith.muli %mul3A_92, %mul3A_123 : i32
      %add3A_125 = arith.addi %mul3A_4, %mul3A_124 : i32
      %dma_wait3A_126 = arith.constant 0 : i32
      %dma_wait3A_127 = arith.constant 0 : i32
      %dma_wait3A_128 = arith.constant 0 : i32
      %dma_wait3A_129 = tpu.memref_slice %arg12[%dma_wait3A_126, %dma_wait3A_127, %dma_wait3A_128] : memref<2x50x128xf32, #tpu.memory_space<vmem>> -> memref<1x50x128xf32, #tpu.memory_space<vmem>>
      %dma_wait3A_130 = tpu.memref_squeeze %dma_wait3A_129 : memref<1x50x128xf32, #tpu.memory_space<vmem>> -> memref<50x128xf32, #tpu.memory_space<vmem>>
      %dma_wait3A_131 = arith.constant 0 : i32
      %dma_wait3A_132 = tpu.memref_slice %arg4[%add3A_125, %dma_wait3A_131] : memref<40000x128xf32, #tpu.memory_space<hbm>> -> memref<50x128xf32, #tpu.memory_space<hbm>>
      %dma_wait3A_133 = arith.constant 0 : i32
      %dma_wait3A_134 = arith.constant 0 : i32
      %dma_wait3A_135 = tpu.memref_slice %arg12[%dma_wait3A_126, %dma_wait3A_133, %dma_wait3A_134] : memref<2x50x128xf32, #tpu.memory_space<vmem>> -> memref<1x50x128xf32, #tpu.memory_space<vmem>>
      %dma_wait3A_136 = tpu.memref_squeeze %dma_wait3A_135 : memref<1x50x128xf32, #tpu.memory_space<vmem>> -> memref<50x128xf32, #tpu.memory_space<vmem>>
      %dma_wait3A_137 = arith.constant 0 : i32
      %dma_wait3A_138 = tpu.memref_slice %arg4[%add3A_125, %dma_wait3A_137] : memref<40000x128xf32, #tpu.memory_space<hbm>> -> memref<50x128xf32, #tpu.memory_space<hbm>>
      tpu.wait_dma2 semaphore(%arg20 : memref<!tpu.dma_semaphore, #tpu.memory_space<semaphore_mem>>) src(%dma_wait3A_138 : memref<50x128xf32, #tpu.memory_space<hbm>>) dst(%dma_wait3A_136 : memref<50x128xf32, #tpu.memory_space<vmem>>)
      %scan3A_139 = arith.constant 0 : i32
      %scan3A_140 = arith.constant 0 : i32
      %scan3A_141 = arith.constant 50 : i32
      %scan3A_142 = arith.addi %scan3A_140, %scan3A_141 : i32
      %scan3A_143 = arith.constant 1 : i32
      %scan3A_144 = scf.for %scan3A_180 = %scan3A_140 to %scan3A_142 step %scan3A_143 iter_args(%scan3A_181 = %scan3A_139) -> (i32)  : i32 {
        %mul3A_182 = arith.constant 8 : i32
        %mul3A_183 = arith.muli %scan3A_180, %mul3A_182 : i32
        %add3A_184 = arith.constant 0 : i32
        %add3A_185 = arith.addi %mul3A_183, %add3A_184 : i32
        %get3A = arith.constant 0 : i32
        %get3A_186 = arith.index_cast %get3A : i32 to index
        %get3A_187 = arith.index_cast %add3A_185 : i32 to index
        %get3A_188 = arith.constant 0 : index
        %get3A_189 = tpu.vector_load %arg10[%get3A_186, %get3A_187, %get3A_188] {strides = array<i32>} : memref<2x400x16xf32, #tpu.memory_space<vmem>>, vector<1x1x16xf32>,
        %get3A_190 = vector.shape_cast %get3A_189 : vector<1x1x16xf32> to vector<16xf32>
        %get3A_191 = arith.constant 0 : i32
        %get3A_192 = arith.index_cast %get3A_191 : i32 to index
        %get3A_193 = arith.index_cast %add3A_185 : i32 to index
        %get3A_194 = arith.constant 0 : index
        %get3A_195 = tpu.vector_load %arg11[%get3A_192, %get3A_193, %get3A_194] {strides = array<i32>} : memref<2x400x16xf32, #tpu.memory_space<vmem>>, vector<1x1x16xf32>,
        %get3A_196 = vector.shape_cast %get3A_195 : vector<1x1x16xf32> to vector<16xf32>
        %add3A_197 = arith.addf %get3A_190, %get3A_196 : vector<16xf32>
        %get3A_198 = arith.constant 0 : i32
        %get3A_199 = arith.index_cast %get3A_198 : i32 to index
        %get3A_200 = arith.index_cast %scan3A_180 : i32 to index
        %get3A_201 = arith.constant 0 : index
        %get3A_202 = tpu.vector_load %arg12[%get3A_199, %get3A_200, %get3A_201] {strides = array<i32>} : memref<2x50x128xf32, #tpu.memory_space<vmem>>, vector<1x1x16xf32>,
        %get3A_203 = vector.shape_cast %get3A_202 : vector<1x1x16xf32> to vector<16xf32>
        %add3A_204 = arith.addf %add3A_197, %get3A_203 : vector<16xf32>
        %max3A = arith.constant 0.000000e+00 : f32
        %max3A_205 = vector.broadcast %max3A : f32 to vector<16xf32>
        %max3A_206 = arith.maximumf %add3A_204, %max3A_205 : vector<16xf32>
        %swap3A = arith.constant 0 : i32
        %swap3A_207 = arith.index_cast %swap3A : i32 to index
        %swap3A_208 = arith.index_cast %add3A_185 : i32 to index
        %swap3A_209 = arith.constant 0 : index
        %swap3A_210 = tpu.vector_load %arg13[%swap3A_207, %swap3A_208, %swap3A_209] {strides = array<i32>} : memref<2x400x16xf32, #tpu.memory_space<vmem>>, vector<1x1x16xf32>,
        %swap3A_211 = vector.shape_cast %swap3A_210 : vector<1x1x16xf32> to vector<16xf32>
        %swap3A_212 = vector.shape_cast %max3A_206 : vector<16xf32> to vector<1x1x16xf32>
        tpu.vector_store %arg13[%swap3A_207, %swap3A_208, %swap3A_209], %swap3A_212 {strides = array<i32>} : memref<2x400x16xf32, #tpu.memory_space<vmem>>, vector<1x1x16xf32>,
        %mul3A_213 = arith.constant 8 : i32
        %mul3A_214 = arith.muli %scan3A_180, %mul3A_213 : i32
        %add3A_215 = arith.constant 1 : i32
        %add3A_216 = arith.addi %mul3A_214, %add3A_215 : i32
        %get3A_217 = arith.constant 0 : i32
        %get3A_218 = arith.index_cast %get3A_217 : i32 to index
        %get3A_219 = arith.index_cast %add3A_216 : i32 to index
        %get3A_220 = arith.constant 0 : index
        %get3A_221 = tpu.vector_load %arg10[%get3A_218, %get3A_219, %get3A_220] {strides = array<i32>} : memref<2x400x16xf32, #tpu.memory_space<vmem>>, vector<1x1x16xf32>,
        %get3A_222 = vector.shape_cast %get3A_221 : vector<1x1x16xf32> to vector<16xf32>
        %get3A_223 = arith.constant 0 : i32
        %get3A_224 = arith.index_cast %get3A_223 : i32 to index
        %get3A_225 = arith.index_cast %add3A_216 : i32 to index
        %get3A_226 = arith.constant 0 : index
        %get3A_227 = tpu.vector_load %arg11[%get3A_224, %get3A_225, %get3A_226] {strides = array<i32>} : memref<2x400x16xf32, #tpu.memory_space<vmem>>, vector<1x1x16xf32>,
        %get3A_228 = vector.shape_cast %get3A_227 : vector<1x1x16xf32> to vector<16xf32>
        %add3A_229 = arith.addf %get3A_222, %get3A_228 : vector<16xf32>
        %get3A_230 = arith.constant 0 : i32
        %get3A_231 = arith.index_cast %get3A_230 : i32 to index
        %get3A_232 = arith.index_cast %scan3A_180 : i32 to index
        %get3A_233 = arith.constant 16 : index
        %get3A_234 = tpu.vector_load %arg12[%get3A_231, %get3A_232, %get3A_233] {strides = array<i32>} : memref<2x50x128xf32, #tpu.memory_space<vmem>>, vector<1x1x16xf32>,
        %get3A_235 = vector.shape_cast %get3A_234 : vector<1x1x16xf32> to vector<16xf32>
        %add3A_236 = arith.addf %add3A_229, %get3A_235 : vector<16xf32>
        %max3A_237 = arith.constant 0.000000e+00 : f32
        %max3A_238 = vector.broadcast %max3A_237 : f32 to vector<16xf32>
        %max3A_239 = arith.maximumf %add3A_236, %max3A_238 : vector<16xf32>
        %swap3A_240 = arith.constant 0 : i32
        %swap3A_241 = arith.index_cast %swap3A_240 : i32 to index
        %swap3A_242 = arith.index_cast %add3A_216 : i32 to index
        %swap3A_243 = arith.constant 0 : index
        %swap3A_244 = tpu.vector_load %arg13[%swap3A_241, %swap3A_242, %swap3A_243] {strides = array<i32>} : memref<2x400x16xf32, #tpu.memory_space<vmem>>, vector<1x1x16xf32>,
        %swap3A_245 = vector.shape_cast %swap3A_244 : vector<1x1x16xf32> to vector<16xf32>
        %swap3A_246 = vector.shape_cast %max3A_239 : vector<16xf32> to vector<1x1x16xf32>
        tpu.vector_store %arg13[%swap3A_241, %swap3A_242, %swap3A_243], %swap3A_246 {strides = array<i32>} : memref<2x400x16xf32, #tpu.memory_space<vmem>>, vector<1x1x16xf32>,
        %mul3A_247 = arith.constant 8 : i32
        %mul3A_248 = arith.muli %scan3A_180, %mul3A_247 : i32
        %add3A_249 = arith.constant 2 : i32
        %add3A_250 = arith.addi %mul3A_248, %add3A_249 : i32
        %get3A_251 = arith.constant 0 : i32
        %get3A_252 = arith.index_cast %get3A_251 : i32 to index
        %get3A_253 = arith.index_cast %add3A_250 : i32 to index
        %get3A_254 = arith.constant 0 : index
        %get3A_255 = tpu.vector_load %arg10[%get3A_252, %get3A_253, %get3A_254] {strides = array<i32>} : memref<2x400x16xf32, #tpu.memory_space<vmem>>, vector<1x1x16xf32>,
        %get3A_256 = vector.shape_cast %get3A_255 : vector<1x1x16xf32> to vector<16xf32>
        %get3A_257 = arith.constant 0 : i32
        %get3A_258 = arith.index_cast %get3A_257 : i32 to index
        %get3A_259 = arith.index_cast %add3A_250 : i32 to index
        %get3A_260 = arith.constant 0 : index
        %get3A_261 = tpu.vector_load %arg11[%get3A_258, %get3A_259, %get3A_260] {strides = array<i32>} : memref<2x400x16xf32, #tpu.memory_space<vmem>>, vector<1x1x16xf32>,
        %get3A_262 = vector.shape_cast %get3A_261 : vector<1x1x16xf32> to vector<16xf32>
        %add3A_263 = arith.addf %get3A_256, %get3A_262 : vector<16xf32>
        %get3A_264 = arith.constant 0 : i32
        %get3A_265 = arith.index_cast %get3A_264 : i32 to index
        %get3A_266 = arith.index_cast %scan3A_180 : i32 to index
        %get3A_267 = arith.constant 32 : index
        %get3A_268 = tpu.vector_load %arg12[%get3A_265, %get3A_266, %get3A_267] {strides = array<i32>} : memref<2x50x128xf32, #tpu.memory_space<vmem>>, vector<1x1x16xf32>,
        %get3A_269 = vector.shape_cast %get3A_268 : vector<1x1x16xf32> to vector<16xf32>
        %add3A_270 = arith.addf %add3A_263, %get3A_269 : vector<16xf32>
        %max3A_271 = arith.constant 0.000000e+00 : f32
        %max3A_272 = vector.broadcast %max3A_271 : f32 to vector<16xf32>
        %max3A_273 = arith.maximumf %add3A_270, %max3A_272 : vector<16xf32>
        %swap3A_274 = arith.constant 0 : i32
        %swap3A_275 = arith.index_cast %swap3A_274 : i32 to index
        %swap3A_276 = arith.index_cast %add3A_250 : i32 to index
        %swap3A_277 = arith.constant 0 : index
        %swap3A_278 = tpu.vector_load %arg13[%swap3A_275, %swap3A_276, %swap3A_277] {strides = array<i32>} : memref<2x400x16xf32, #tpu.memory_space<vmem>>, vector<1x1x16xf32>,
        %swap3A_279 = vector.shape_cast %swap3A_278 : vector<1x1x16xf32> to vector<16xf32>
        %swap3A_280 = vector.shape_cast %max3A_273 : vector<16xf32> to vector<1x1x16xf32>
        tpu.vector_store %arg13[%swap3A_275, %swap3A_276, %swap3A_277], %swap3A_280 {strides = array<i32>} : memref<2x400x16xf32, #tpu.memory_space<vmem>>, vector<1x1x16xf32>,
        %mul3A_281 = arith.constant 8 : i32
        %mul3A_282 = arith.muli %scan3A_180, %mul3A_281 : i32
        %add3A_283 = arith.constant 3 : i32
        %add3A_284 = arith.addi %mul3A_282, %add3A_283 : i32
        %get3A_285 = arith.constant 0 : i32
        %get3A_286 = arith.index_cast %get3A_285 : i32 to index
        %get3A_287 = arith.index_cast %add3A_284 : i32 to index
        %get3A_288 = arith.constant 0 : index
        %get3A_289 = tpu.vector_load %arg10[%get3A_286, %get3A_287, %get3A_288] {strides = array<i32>} : memref<2x400x16xf32, #tpu.memory_space<vmem>>, vector<1x1x16xf32>,
        %get3A_290 = vector.shape_cast %get3A_289 : vector<1x1x16xf32> to vector<16xf32>
        %get3A_291 = arith.constant 0 : i32
        %get3A_292 = arith.index_cast %get3A_291 : i32 to index
        %get3A_293 = arith.index_cast %add3A_284 : i32 to index
        %get3A_294 = arith.constant 0 : index
        %get3A_295 = tpu.vector_load %arg11[%get3A_292, %get3A_293, %get3A_294] {strides = array<i32>} : memref<2x400x16xf32, #tpu.memory_space<vmem>>, vector<1x1x16xf32>,
        %get3A_296 = vector.shape_cast %get3A_295 : vector<1x1x16xf32> to vector<16xf32>
        %add3A_297 = arith.addf %get3A_290, %get3A_296 : vector<16xf32>
        %get3A_298 = arith.constant 0 : i32
        %get3A_299 = arith.index_cast %get3A_298 : i32 to index
        %get3A_300 = arith.index_cast %scan3A_180 : i32 to index
        %get3A_301 = arith.constant 48 : index
        %get3A_302 = tpu.vector_load %arg12[%get3A_299, %get3A_300, %get3A_301] {strides = array<i32>} : memref<2x50x128xf32, #tpu.memory_space<vmem>>, vector<1x1x16xf32>,
        %get3A_303 = vector.shape_cast %get3A_302 : vector<1x1x16xf32> to vector<16xf32>
        %add3A_304 = arith.addf %add3A_297, %get3A_303 : vector<16xf32>
        %max3A_305 = arith.constant 0.000000e+00 : f32
        %max3A_306 = vector.broadcast %max3A_305 : f32 to vector<16xf32>
        %max3A_307 = arith.maximumf %add3A_304, %max3A_306 : vector<16xf32>
        %swap3A_308 = arith.constant 0 : i32
        %swap3A_309 = arith.index_cast %swap3A_308 : i32 to index
        %swap3A_310 = arith.index_cast %add3A_284 : i32 to index
        %swap3A_311 = arith.constant 0 : index
        %swap3A_312 = tpu.vector_load %arg13[%swap3A_309, %swap3A_310, %swap3A_311] {strides = array<i32>} : memref<2x400x16xf32, #tpu.memory_space<vmem>>, vector<1x1x16xf32>,
        %swap3A_313 = vector.shape_cast %swap3A_312 : vector<1x1x16xf32> to vector<16xf32>
        %swap3A_314 = vector.shape_cast %max3A_307 : vector<16xf32> to vector<1x1x16xf32>
        tpu.vector_store %arg13[%swap3A_309, %swap3A_310, %swap3A_311], %swap3A_314 {strides = array<i32>} : memref<2x400x16xf32, #tpu.memory_space<vmem>>, vector<1x1x16xf32>,
        %mul3A_315 = arith.constant 8 : i32
        %mul3A_316 = arith.muli %scan3A_180, %mul3A_315 : i32
        %add3A_317 = arith.constant 4 : i32
        %add3A_318 = arith.addi %mul3A_316, %add3A_317 : i32
        %get3A_319 = arith.constant 0 : i32
        %get3A_320 = arith.index_cast %get3A_319 : i32 to index
        %get3A_321 = arith.index_cast %add3A_318 : i32 to index
        %get3A_322 = arith.constant 0 : index
        %get3A_323 = tpu.vector_load %arg10[%get3A_320, %get3A_321, %get3A_322] {strides = array<i32>} : memref<2x400x16xf32, #tpu.memory_space<vmem>>, vector<1x1x16xf32>,
        %get3A_324 = vector.shape_cast %get3A_323 : vector<1x1x16xf32> to vector<16xf32>
        %get3A_325 = arith.constant 0 : i32
        %get3A_326 = arith.index_cast %get3A_325 : i32 to index
        %get3A_327 = arith.index_cast %add3A_318 : i32 to index
        %get3A_328 = arith.constant 0 : index
        %get3A_329 = tpu.vector_load %arg11[%get3A_326, %get3A_327, %get3A_328] {strides = array<i32>} : memref<2x400x16xf32, #tpu.memory_space<vmem>>, vector<1x1x16xf32>,
        %get3A_330 = vector.shape_cast %get3A_329 : vector<1x1x16xf32> to vector<16xf32>
        %add3A_331 = arith.addf %get3A_324, %get3A_330 : vector<16xf32>
        %get3A_332 = arith.constant 0 : i32
        %get3A_333 = arith.index_cast %get3A_332 : i32 to index
        %get3A_334 = arith.index_cast %scan3A_180 : i32 to index
        %get3A_335 = arith.constant 64 : index
        %get3A_336 = tpu.vector_load %arg12[%get3A_333, %get3A_334, %get3A_335] {strides = array<i32>} : memref<2x50x128xf32, #tpu.memory_space<vmem>>, vector<1x1x16xf32>,
        %get3A_337 = vector.shape_cast %get3A_336 : vector<1x1x16xf32> to vector<16xf32>
        %add3A_338 = arith.addf %add3A_331, %get3A_337 : vector<16xf32>
        %max3A_339 = arith.constant 0.000000e+00 : f32
        %max3A_340 = vector.broadcast %max3A_339 : f32 to vector<16xf32>
        %max3A_341 = arith.maximumf %add3A_338, %max3A_340 : vector<16xf32>
        %swap3A_342 = arith.constant 0 : i32
        %swap3A_343 = arith.index_cast %swap3A_342 : i32 to index
        %swap3A_344 = arith.index_cast %add3A_318 : i32 to index
        %swap3A_345 = arith.constant 0 : index
        %swap3A_346 = tpu.vector_load %arg13[%swap3A_343, %swap3A_344, %swap3A_345] {strides = array<i32>} : memref<2x400x16xf32, #tpu.memory_space<vmem>>, vector<1x1x16xf32>,
        %swap3A_347 = vector.shape_cast %swap3A_346 : vector<1x1x16xf32> to vector<16xf32>
        %swap3A_348 = vector.shape_cast %max3A_341 : vector<16xf32> to vector<1x1x16xf32>
        tpu.vector_store %arg13[%swap3A_343, %swap3A_344, %swap3A_345], %swap3A_348 {strides = array<i32>} : memref<2x400x16xf32, #tpu.memory_space<vmem>>, vector<1x1x16xf32>,
        %mul3A_349 = arith.constant 8 : i32
        %mul3A_350 = arith.muli %scan3A_180, %mul3A_349 : i32
        %add3A_351 = arith.constant 5 : i32
        %add3A_352 = arith.addi %mul3A_350, %add3A_351 : i32
        %get3A_353 = arith.constant 0 : i32
        %get3A_354 = arith.index_cast %get3A_353 : i32 to index
        %get3A_355 = arith.index_cast %add3A_352 : i32 to index
        %get3A_356 = arith.constant 0 : index
        %get3A_357 = tpu.vector_load %arg10[%get3A_354, %get3A_355, %get3A_356] {strides = array<i32>} : memref<2x400x16xf32, #tpu.memory_space<vmem>>, vector<1x1x16xf32>,
        %get3A_358 = vector.shape_cast %get3A_357 : vector<1x1x16xf32> to vector<16xf32>
        %get3A_359 = arith.constant 0 : i32
        %get3A_360 = arith.index_cast %get3A_359 : i32 to index
        %get3A_361 = arith.index_cast %add3A_352 : i32 to index
        %get3A_362 = arith.constant 0 : index
        %get3A_363 = tpu.vector_load %arg11[%get3A_360, %get3A_361, %get3A_362] {strides = array<i32>} : memref<2x400x16xf32, #tpu.memory_space<vmem>>, vector<1x1x16xf32>,
        %get3A_364 = vector.shape_cast %get3A_363 : vector<1x1x16xf32> to vector<16xf32>
        %add3A_365 = arith.addf %get3A_358, %get3A_364 : vector<16xf32>
        %get3A_366 = arith.constant 0 : i32
        %get3A_367 = arith.index_cast %get3A_366 : i32 to index
        %get3A_368 = arith.index_cast %scan3A_180 : i32 to index
        %get3A_369 = arith.constant 80 : index
        %get3A_370 = tpu.vector_load %arg12[%get3A_367, %get3A_368, %get3A_369] {strides = array<i32>} : memref<2x50x128xf32, #tpu.memory_space<vmem>>, vector<1x1x16xf32>,
        %get3A_371 = vector.shape_cast %get3A_370 : vector<1x1x16xf32> to vector<16xf32>
        %add3A_372 = arith.addf %add3A_365, %get3A_371 : vector<16xf32>
        %max3A_373 = arith.constant 0.000000e+00 : f32
        %max3A_374 = vector.broadcast %max3A_373 : f32 to vector<16xf32>
        %max3A_375 = arith.maximumf %add3A_372, %max3A_374 : vector<16xf32>
        %swap3A_376 = arith.constant 0 : i32
        %swap3A_377 = arith.index_cast %swap3A_376 : i32 to index
        %swap3A_378 = arith.index_cast %add3A_352 : i32 to index
        %swap3A_379 = arith.constant 0 : index
        %swap3A_380 = tpu.vector_load %arg13[%swap3A_377, %swap3A_378, %swap3A_379] {strides = array<i32>} : memref<2x400x16xf32, #tpu.memory_space<vmem>>, vector<1x1x16xf32>,
        %swap3A_381 = vector.shape_cast %swap3A_380 : vector<1x1x16xf32> to vector<16xf32>
        %swap3A_382 = vector.shape_cast %max3A_375 : vector<16xf32> to vector<1x1x16xf32>
        tpu.vector_store %arg13[%swap3A_377, %swap3A_378, %swap3A_379], %swap3A_382 {strides = array<i32>} : memref<2x400x16xf32, #tpu.memory_space<vmem>>, vector<1x1x16xf32>,
        %mul3A_383 = arith.constant 8 : i32
        %mul3A_384 = arith.muli %scan3A_180, %mul3A_383 : i32
        %add3A_385 = arith.constant 6 : i32
        %add3A_386 = arith.addi %mul3A_384, %add3A_385 : i32
        %get3A_387 = arith.constant 0 : i32
        %get3A_388 = arith.index_cast %get3A_387 : i32 to index
        %get3A_389 = arith.index_cast %add3A_386 : i32 to index
        %get3A_390 = arith.constant 0 : index
        %get3A_391 = tpu.vector_load %arg10[%get3A_388, %get3A_389, %get3A_390] {strides = array<i32>} : memref<2x400x16xf32, #tpu.memory_space<vmem>>, vector<1x1x16xf32>,
        %get3A_392 = vector.shape_cast %get3A_391 : vector<1x1x16xf32> to vector<16xf32>
        %get3A_393 = arith.constant 0 : i32
        %get3A_394 = arith.index_cast %get3A_393 : i32 to index
        %get3A_395 = arith.index_cast %add3A_386 : i32 to index
        %get3A_396 = arith.constant 0 : index
        %get3A_397 = tpu.vector_load %arg11[%get3A_394, %get3A_395, %get3A_396] {strides = array<i32>} : memref<2x400x16xf32, #tpu.memory_space<vmem>>, vector<1x1x16xf32>,
        %get3A_398 = vector.shape_cast %get3A_397 : vector<1x1x16xf32> to vector<16xf32>
        %add3A_399 = arith.addf %get3A_392, %get3A_398 : vector<16xf32>
        %get3A_400 = arith.constant 0 : i32
        %get3A_401 = arith.index_cast %get3A_400 : i32 to index
        %get3A_402 = arith.index_cast %scan3A_180 : i32 to index
        %get3A_403 = arith.constant 96 : index
        %get3A_404 = tpu.vector_load %arg12[%get3A_401, %get3A_402, %get3A_403] {strides = array<i32>} : memref<2x50x128xf32, #tpu.memory_space<vmem>>, vector<1x1x16xf32>,
        %get3A_405 = vector.shape_cast %get3A_404 : vector<1x1x16xf32> to vector<16xf32>
        %add3A_406 = arith.addf %add3A_399, %get3A_405 : vector<16xf32>
        %max3A_407 = arith.constant 0.000000e+00 : f32
        %max3A_408 = vector.broadcast %max3A_407 : f32 to vector<16xf32>
        %max3A_409 = arith.maximumf %add3A_406, %max3A_408 : vector<16xf32>
        %swap3A_410 = arith.constant 0 : i32
        %swap3A_411 = arith.index_cast %swap3A_410 : i32 to index
        %swap3A_412 = arith.index_cast %add3A_386 : i32 to index
        %swap3A_413 = arith.constant 0 : index
        %swap3A_414 = tpu.vector_load %arg13[%swap3A_411, %swap3A_412, %swap3A_413] {strides = array<i32>} : memref<2x400x16xf32, #tpu.memory_space<vmem>>, vector<1x1x16xf32>,
        %swap3A_415 = vector.shape_cast %swap3A_414 : vector<1x1x16xf32> to vector<16xf32>
        %swap3A_416 = vector.shape_cast %max3A_409 : vector<16xf32> to vector<1x1x16xf32>
        tpu.vector_store %arg13[%swap3A_411, %swap3A_412, %swap3A_413], %swap3A_416 {strides = array<i32>} : memref<2x400x16xf32, #tpu.memory_space<vmem>>, vector<1x1x16xf32>,
        %mul3A_417 = arith.constant 8 : i32
        %mul3A_418 = arith.muli %scan3A_180, %mul3A_417 : i32
        %add3A_419 = arith.constant 7 : i32
        %add3A_420 = arith.addi %mul3A_418, %add3A_419 : i32
        %get3A_421 = arith.constant 0 : i32
        %get3A_422 = arith.index_cast %get3A_421 : i32 to index
        %get3A_423 = arith.index_cast %add3A_420 : i32 to index
        %get3A_424 = arith.constant 0 : index
        %get3A_425 = tpu.vector_load %arg10[%get3A_422, %get3A_423, %get3A_424] {strides = array<i32>} : memref<2x400x16xf32, #tpu.memory_space<vmem>>, vector<1x1x16xf32>,
        %get3A_426 = vector.shape_cast %get3A_425 : vector<1x1x16xf32> to vector<16xf32>
        %get3A_427 = arith.constant 0 : i32
        %get3A_428 = arith.index_cast %get3A_427 : i32 to index
        %get3A_429 = arith.index_cast %add3A_420 : i32 to index
        %get3A_430 = arith.constant 0 : index
        %get3A_431 = tpu.vector_load %arg11[%get3A_428, %get3A_429, %get3A_430] {strides = array<i32>} : memref<2x400x16xf32, #tpu.memory_space<vmem>>, vector<1x1x16xf32>,
        %get3A_432 = vector.shape_cast %get3A_431 : vector<1x1x16xf32> to vector<16xf32>
        %add3A_433 = arith.addf %get3A_426, %get3A_432 : vector<16xf32>
        %get3A_434 = arith.constant 0 : i32
        %get3A_435 = arith.index_cast %get3A_434 : i32 to index
        %get3A_436 = arith.index_cast %scan3A_180 : i32 to index
        %get3A_437 = arith.constant 112 : index
        %get3A_438 = tpu.vector_load %arg12[%get3A_435, %get3A_436, %get3A_437] {strides = array<i32>} : memref<2x50x128xf32, #tpu.memory_space<vmem>>, vector<1x1x16xf32>,
        %get3A_439 = vector.shape_cast %get3A_438 : vector<1x1x16xf32> to vector<16xf32>
        %add3A_440 = arith.addf %add3A_433, %get3A_439 : vector<16xf32>
        %max3A_441 = arith.constant 0.000000e+00 : f32
        %max3A_442 = vector.broadcast %max3A_441 : f32 to vector<16xf32>
        %max3A_443 = arith.maximumf %add3A_440, %max3A_442 : vector<16xf32>
        %swap3A_444 = arith.constant 0 : i32
        %swap3A_445 = arith.index_cast %swap3A_444 : i32 to index
        %swap3A_446 = arith.index_cast %add3A_420 : i32 to index
        %swap3A_447 = arith.constant 0 : index
        %swap3A_448 = tpu.vector_load %arg13[%swap3A_445, %swap3A_446, %swap3A_447] {strides = array<i32>} : memref<2x400x16xf32, #tpu.memory_space<vmem>>, vector<1x1x16xf32>,
        %swap3A_449 = vector.shape_cast %swap3A_448 : vector<1x1x16xf32> to vector<16xf32>
        %swap3A_450 = vector.shape_cast %max3A_443 : vector<16xf32> to vector<1x1x16xf32>
        tpu.vector_store %arg13[%swap3A_445, %swap3A_446, %swap3A_447], %swap3A_450 {strides = array<i32>} : memref<2x400x16xf32, #tpu.memory_space<vmem>>, vector<1x1x16xf32>,
        %scan3A_451 = arith.constant 0 : i32
        scf.yield %scan3A_451 : i32
      }
      %scan3A_145 = arith.constant 50 : i32
      %mul3A_146 = arith.constant 400 : i32
      %mul3A_147 = arith.muli %mul3A_92, %mul3A_146 : i32
      %add3A_148 = arith.addi %mul3A_2, %mul3A_147 : i32
      %dma_start3A_149 = arith.constant 0 : i32
      %dma_start3A_150 = arith.constant 0 : i32
      %dma_start3A_151 = arith.constant 0 : i32
      %dma_start3A_152 = tpu.memref_slice %arg13[%dma_start3A_149, %dma_start3A_150, %dma_start3A_151] : memref<2x400x16xf32, #tpu.memory_space<vmem>> -> memref<1x400x16xf32, #tpu.memory_space<vmem>>
      %dma_start3A_153 = tpu.memref_squeeze %dma_start3A_152 : memref<1x400x16xf32, #tpu.memory_space<vmem>> -> memref<400x16xf32, #tpu.memory_space<vmem>>
      %dma_start3A_154 = arith.constant 0 : i32
      %dma_start3A_155 = tpu.memref_slice %arg6[%add3A_148, %dma_start3A_154] : memref<320000x16xf32, #tpu.memory_space<hbm>> -> memref<400x16xf32, #tpu.memory_space<hbm>>
      %dma_start3A_156 = arith.constant 0 : i32
      %dma_start3A_157 = tpu.memref_slice %arg6[%add3A_148, %dma_start3A_156] : memref<320000x16xf32, #tpu.memory_space<hbm>> -> memref<400x16xf32, #tpu.memory_space<hbm>>
      %dma_start3A_158 = arith.constant 0 : i32
      %dma_start3A_159 = arith.constant 0 : i32
      %dma_start3A_160 = tpu.memref_slice %arg13[%dma_start3A_149, %dma_start3A_158, %dma_start3A_159] : memref<2x400x16xf32, #tpu.memory_space<vmem>> -> memref<1x400x16xf32, #tpu.memory_space<vmem>>
      %dma_start3A_161 = tpu.memref_squeeze %dma_start3A_160 : memref<1x400x16xf32, #tpu.memory_space<vmem>> -> memref<400x16xf32, #tpu.memory_space<vmem>>
      tpu.enqueue_dma source(%dma_start3A_161 : memref<400x16xf32, #tpu.memory_space<vmem>>) target(%dma_start3A_157 : memref<400x16xf32, #tpu.memory_space<hbm>>) target_semaphore(%arg22 : memref<!tpu.dma_semaphore, #tpu.memory_space<semaphore_mem>>)
      %mul3A_162 = arith.constant 400 : i32
      %mul3A_163 = arith.muli %mul3A_92, %mul3A_162 : i32
      %run_scoped3A_164 = arith.constant 0 : i32
      "tpu.region"() ({
        %run_scoped3A_180 = tpu.sem_alloc : memref<!tpu.dma_semaphore, #tpu.memory_space<semaphore_mem>>
        %dma_start3A_181 = arith.constant 0 : i32
        %dma_start3A_182 = arith.constant 0 : i32
        %dma_start3A_183 = tpu.memref_slice %arg13[%run_scoped3A_164, %dma_start3A_181, %dma_start3A_182] : memref<2x400x16xf32, #tpu.memory_space<vmem>> -> memref<1x400x16xf32, #tpu.memory_space<vmem>>
        %dma_start3A_184 = tpu.memref_squeeze %dma_start3A_183 : memref<1x400x16xf32, #tpu.memory_space<vmem>> -> memref<400x16xf32, #tpu.memory_space<vmem>>
        %dma_start3A_185 = tpu.memref_slice %arg9[%mul3A_163] : memref<10000xi32, #tpu.memory_space<vmem>> -> memref<400xi32, #tpu.memory_space<vmem>>
        %dma_start3A_186 = arith.constant 0 : i32
        %dma_start3A_187 = arith.constant 0 : i32
        %dma_start3A_188 = tpu.memref_slice %arg15[%dma_start3A_186, %dma_start3A_187] : memref<10240x16xf32, #tpu.memory_space<vmem_shared>> -> memref<10240x16xf32, #tpu.memory_space<vmem_shared>>
        tpu.enqueue_indirect_dma source(%dma_start3A_184 : memref<400x16xf32, #tpu.memory_space<vmem>>) target(%dma_start3A_188 : memref<10240x16xf32, #tpu.memory_space<vmem_shared>>) offsets(%dma_start3A_185 : memref<400xi32, #tpu.memory_space<vmem>>) semaphore(%run_scoped3A_180 : memref<!tpu.dma_semaphore, #tpu.memory_space<semaphore_mem>>) {add = true}
        %dma_wait3A_189 = arith.constant 0 : i32
        %dma_wait3A_190 = arith.constant 0 : i32
        %dma_wait3A_191 = tpu.memref_slice %arg13[%run_scoped3A_164, %dma_wait3A_189, %dma_wait3A_190] : memref<2x400x16xf32, #tpu.memory_space<vmem>> -> memref<1x400x16xf32, #tpu.memory_space<vmem>>
        %dma_wait3A_192 = tpu.memref_squeeze %dma_wait3A_191 : memref<1x400x16xf32, #tpu.memory_space<vmem>> -> memref<400x16xf32, #tpu.memory_space<vmem>>
        %dma_wait3A_193 = tpu.memref_slice %arg9[%mul3A_163] : memref<10000xi32, #tpu.memory_space<vmem>> -> memref<400xi32, #tpu.memory_space<vmem>>
        %dma_wait3A_194 = arith.constant 0 : i32
        %dma_wait3A_195 = arith.constant 0 : i32
        %dma_wait3A_196 = tpu.memref_slice %arg15[%dma_wait3A_194, %dma_wait3A_195] : memref<10240x16xf32, #tpu.memory_space<vmem_shared>> -> memref<10240x16xf32, #tpu.memory_space<vmem_shared>>
        tpu.wait_indirect_dma semaphore(%run_scoped3A_180 : memref<!tpu.dma_semaphore, #tpu.memory_space<semaphore_mem>>) src(%dma_wait3A_192 : memref<400x16xf32, #tpu.memory_space<vmem>>) dst(%dma_wait3A_196 : memref<10240x16xf32, #tpu.memory_space<vmem_shared>>)
        tpu.yield
      }) : () -> ()
      %add3A_165 = arith.constant 2 : i32
      %add3A_166 = arith.addi %mul3A_92, %add3A_165 : i32
      %lt3A_167 = arith.constant 25 : i32
      %lt3A_168 = arith.cmpi slt, %add3A_166, %lt3A_167 : i32
      %convert_element_type3A_169 = arith.extui %lt3A_168 : i1 to i32
      %cond3A_170 = arith.constant 0 : i32
      %cond3A_171 = arith.cmpi ne, %convert_element_type3A_169, %cond3A_170 : i32
      scf.if %cond3A_171 {
        %add3A_180 = arith.constant 2 : i32
        %add3A_181 = arith.addi %mul3A_92, %add3A_180 : i32
        %mul3A_182 = arith.constant 400 : i32
        %mul3A_183 = arith.muli %add3A_181, %mul3A_182 : i32
        %dma_start3A_184 = arith.constant 0 : i32
        %dma_start3A_185 = arith.constant 0 : i32
        %dma_start3A_186 = arith.constant 0 : i32
        %dma_start3A_187 = tpu.memref_slice %arg10[%dma_start3A_184, %dma_start3A_185, %dma_start3A_186] : memref<2x400x16xf32, #tpu.memory_space<vmem>> -> memref<1x400x16xf32, #tpu.memory_space<vmem>>
        %dma_start3A_188 = tpu.memref_squeeze %dma_start3A_187 : memref<1x400x16xf32, #tpu.memory_space<vmem>> -> memref<400x16xf32, #tpu.memory_space<vmem>>
        %dma_start3A_189 = tpu.memref_slice %arg8[%mul3A_183] : memref<10000xi32, #tpu.memory_space<vmem>> -> memref<400xi32, #tpu.memory_space<vmem>>
        %dma_start3A_190 = arith.constant 0 : i32
        %dma_start3A_191 = arith.constant 0 : i32
        %dma_start3A_192 = tpu.memref_slice %arg2[%dma_start3A_190, %dma_start3A_191] : memref<10000x16xf32, #tpu.memory_space<hbm>> -> memref<10000x16xf32, #tpu.memory_space<hbm>>
        tpu.enqueue_indirect_dma source(%dma_start3A_192 : memref<10000x16xf32, #tpu.memory_space<hbm>>) target(%dma_start3A_188 : memref<400x16xf32, #tpu.memory_space<vmem>>) offsets(%dma_start3A_189 : memref<400xi32, #tpu.memory_space<vmem>>) semaphore(%arg16 : memref<!tpu.dma_semaphore, #tpu.memory_space<semaphore_mem>>)
        %mul3A_193 = arith.constant 400 : i32
        %mul3A_194 = arith.muli %add3A_181, %mul3A_193 : i32
        %dma_start3A_195 = arith.constant 0 : i32
        %dma_start3A_196 = arith.constant 0 : i32
        %dma_start3A_197 = arith.constant 0 : i32
        %dma_start3A_198 = tpu.memref_slice %arg11[%dma_start3A_195, %dma_start3A_196, %dma_start3A_197] : memref<2x400x16xf32, #tpu.memory_space<vmem>> -> memref<1x400x16xf32, #tpu.memory_space<vmem>>
        %dma_start3A_199 = tpu.memref_squeeze %dma_start3A_198 : memref<1x400x16xf32, #tpu.memory_space<vmem>> -> memref<400x16xf32, #tpu.memory_space<vmem>>
        %dma_start3A_200 = tpu.memref_slice %arg9[%mul3A_194] : memref<10000xi32, #tpu.memory_space<vmem>> -> memref<400xi32, #tpu.memory_space<vmem>>
        %dma_start3A_201 = arith.constant 0 : i32
        %dma_start3A_202 = arith.constant 0 : i32
        %dma_start3A_203 = tpu.memref_slice %arg3[%dma_start3A_201, %dma_start3A_202] : memref<10000x16xf32, #tpu.memory_space<hbm>> -> memref<10000x16xf32, #tpu.memory_space<hbm>>
        tpu.enqueue_indirect_dma source(%dma_start3A_203 : memref<10000x16xf32, #tpu.memory_space<hbm>>) target(%dma_start3A_199 : memref<400x16xf32, #tpu.memory_space<vmem>>) offsets(%dma_start3A_200 : memref<400xi32, #tpu.memory_space<vmem>>) semaphore(%arg18 : memref<!tpu.dma_semaphore, #tpu.memory_space<semaphore_mem>>)
        %mul3A_204 = arith.constant 50 : i32
        %mul3A_205 = arith.muli %add3A_181, %mul3A_204 : i32
        %add3A_206 = arith.addi %mul3A_4, %mul3A_205 : i32
        %dma_start3A_207 = arith.constant 0 : i32
        %dma_start3A_208 = arith.constant 0 : i32
        %dma_start3A_209 = arith.constant 0 : i32
        %dma_start3A_210 = tpu.memref_slice %arg12[%dma_start3A_207, %dma_start3A_208, %dma_start3A_209] : memref<2x50x128xf32, #tpu.memory_space<vmem>> -> memref<1x50x128xf32, #tpu.memory_space<vmem>>
        %dma_start3A_211 = tpu.memref_squeeze %dma_start3A_210 : memref<1x50x128xf32, #tpu.memory_space<vmem>> -> memref<50x128xf32, #tpu.memory_space<vmem>>
        %dma_start3A_212 = arith.constant 0 : i32
        %dma_start3A_213 = tpu.memref_slice %arg4[%add3A_206, %dma_start3A_212] : memref<40000x128xf32, #tpu.memory_space<hbm>> -> memref<50x128xf32, #tpu.memory_space<hbm>>
        %dma_start3A_214 = arith.constant 0 : i32
        %dma_start3A_215 = arith.constant 0 : i32
        %dma_start3A_216 = tpu.memref_slice %arg12[%dma_start3A_207, %dma_start3A_214, %dma_start3A_215] : memref<2x50x128xf32, #tpu.memory_space<vmem>> -> memref<1x50x128xf32, #tpu.memory_space<vmem>>
        %dma_start3A_217 = tpu.memref_squeeze %dma_start3A_216 : memref<1x50x128xf32, #tpu.memory_space<vmem>> -> memref<50x128xf32, #tpu.memory_space<vmem>>
        %dma_start3A_218 = arith.constant 0 : i32
        %dma_start3A_219 = tpu.memref_slice %arg4[%add3A_206, %dma_start3A_218] : memref<40000x128xf32, #tpu.memory_space<hbm>> -> memref<50x128xf32, #tpu.memory_space<hbm>>
        tpu.enqueue_dma source(%dma_start3A_219 : memref<50x128xf32, #tpu.memory_space<hbm>>) target(%dma_start3A_217 : memref<50x128xf32, #tpu.memory_space<vmem>>) target_semaphore(%arg20 : memref<!tpu.dma_semaphore, #tpu.memory_space<semaphore_mem>>)
      } else {
      }
      %add3A_172 = arith.constant 1 : i32
      %add3A_173 = arith.addi %mul3A_92, %add3A_172 : i32
      %lt3A_174 = arith.constant 25 : i32
      %lt3A_175 = arith.cmpi slt, %add3A_173, %lt3A_174 : i32
      %convert_element_type3A_176 = arith.extui %lt3A_175 : i1 to i32
      %cond3A_177 = arith.constant 0 : i32
      %cond3A_178 = arith.cmpi ne, %convert_element_type3A_176, %cond3A_177 : i32
      scf.if %cond3A_178 {
        %add3A_180 = arith.constant 1 : i32
        %add3A_181 = arith.addi %mul3A_92, %add3A_180 : i32
        %ge3A_182 = arith.constant 2 : i32
        %ge3A_183 = arith.cmpi sge, %add3A_181, %ge3A_182 : i32
        %convert_element_type3A_184 = arith.extui %ge3A_183 : i1 to i32
        %cond3A_185 = arith.constant 0 : i32
        %cond3A_186 = arith.cmpi ne, %convert_element_type3A_184, %cond3A_185 : i32
        scf.if %cond3A_186 {
          %sub3A = arith.constant 2 : i32
          %sub3A_251 = arith.subi %add3A_181, %sub3A : i32
          %mul3A_252 = arith.constant 400 : i32
          %mul3A_253 = arith.muli %sub3A_251, %mul3A_252 : i32
          %add3A_254 = arith.addi %mul3A_2, %mul3A_253 : i32
          %dma_wait3A_255 = arith.constant 1 : i32
          %dma_wait3A_256 = arith.constant 0 : i32
          %dma_wait3A_257 = arith.constant 0 : i32
          %dma_wait3A_258 = tpu.memref_slice %arg13[%dma_wait3A_255, %dma_wait3A_256, %dma_wait3A_257] : memref<2x400x16xf32, #tpu.memory_space<vmem>> -> memref<1x400x16xf32, #tpu.memory_space<vmem>>
          %dma_wait3A_259 = tpu.memref_squeeze %dma_wait3A_258 : memref<1x400x16xf32, #tpu.memory_space<vmem>> -> memref<400x16xf32, #tpu.memory_space<vmem>>
          %dma_wait3A_260 = arith.constant 0 : i32
          %dma_wait3A_261 = tpu.memref_slice %arg6[%add3A_254, %dma_wait3A_260] : memref<320000x16xf32, #tpu.memory_space<hbm>> -> memref<400x16xf32, #tpu.memory_space<hbm>>
          %dma_wait3A_262 = arith.constant 0 : i32
          %dma_wait3A_263 = tpu.memref_slice %arg6[%add3A_254, %dma_wait3A_262] : memref<320000x16xf32, #tpu.memory_space<hbm>> -> memref<400x16xf32, #tpu.memory_space<hbm>>
          %dma_wait3A_264 = arith.constant 0 : i32
          %dma_wait3A_265 = arith.constant 0 : i32
          %dma_wait3A_266 = tpu.memref_slice %arg13[%dma_wait3A_255, %dma_wait3A_264, %dma_wait3A_265] : memref<2x400x16xf32, #tpu.memory_space<vmem>> -> memref<1x400x16xf32, #tpu.memory_space<vmem>>
          %dma_wait3A_267 = tpu.memref_squeeze %dma_wait3A_266 : memref<1x400x16xf32, #tpu.memory_space<vmem>> -> memref<400x16xf32, #tpu.memory_space<vmem>>
          tpu.wait_dma2 semaphore(%arg23 : memref<!tpu.dma_semaphore, #tpu.memory_space<semaphore_mem>>) src(%dma_wait3A_267 : memref<400x16xf32, #tpu.memory_space<vmem>>) dst(%dma_wait3A_263 : memref<400x16xf32, #tpu.memory_space<hbm>>)
        } else {
        }
        %mul3A_187 = arith.constant 400 : i32
        %mul3A_188 = arith.muli %add3A_181, %mul3A_187 : i32
        %dma_wait3A_189 = arith.constant 1 : i32
        %dma_wait3A_190 = arith.constant 0 : i32
        %dma_wait3A_191 = arith.constant 0 : i32
        %dma_wait3A_192 = tpu.memref_slice %arg10[%dma_wait3A_189, %dma_wait3A_190, %dma_wait3A_191] : memref<2x400x16xf32, #tpu.memory_space<vmem>> -> memref<1x400x16xf32, #tpu.memory_space<vmem>>
        %dma_wait3A_193 = tpu.memref_squeeze %dma_wait3A_192 : memref<1x400x16xf32, #tpu.memory_space<vmem>> -> memref<400x16xf32, #tpu.memory_space<vmem>>
        %dma_wait3A_194 = tpu.memref_slice %arg8[%mul3A_188] : memref<10000xi32, #tpu.memory_space<vmem>> -> memref<400xi32, #tpu.memory_space<vmem>>
        %dma_wait3A_195 = arith.constant 0 : i32
        %dma_wait3A_196 = arith.constant 0 : i32
        %dma_wait3A_197 = tpu.memref_slice %arg2[%dma_wait3A_195, %dma_wait3A_196] : memref<10000x16xf32, #tpu.memory_space<hbm>> -> memref<10000x16xf32, #tpu.memory_space<hbm>>
        tpu.wait_indirect_dma semaphore(%arg17 : memref<!tpu.dma_semaphore, #tpu.memory_space<semaphore_mem>>) src(%dma_wait3A_197 : memref<10000x16xf32, #tpu.memory_space<hbm>>) dst(%dma_wait3A_193 : memref<400x16xf32, #tpu.memory_space<vmem>>)
        %mul3A_198 = arith.constant 400 : i32
        %mul3A_199 = arith.muli %add3A_181, %mul3A_198 : i32
        %dma_wait3A_200 = arith.constant 1 : i32
        %dma_wait3A_201 = arith.constant 0 : i32
        %dma_wait3A_202 = arith.constant 0 : i32
        %dma_wait3A_203 = tpu.memref_slice %arg11[%dma_wait3A_200, %dma_wait3A_201, %dma_wait3A_202] : memref<2x400x16xf32, #tpu.memory_space<vmem>> -> memref<1x400x16xf32, #tpu.memory_space<vmem>>
        %dma_wait3A_204 = tpu.memref_squeeze %dma_wait3A_203 : memref<1x400x16xf32, #tpu.memory_space<vmem>> -> memref<400x16xf32, #tpu.memory_space<vmem>>
        %dma_wait3A_205 = tpu.memref_slice %arg9[%mul3A_199] : memref<10000xi32, #tpu.memory_space<vmem>> -> memref<400xi32, #tpu.memory_space<vmem>>
        %dma_wait3A_206 = arith.constant 0 : i32
        %dma_wait3A_207 = arith.constant 0 : i32
        %dma_wait3A_208 = tpu.memref_slice %arg3[%dma_wait3A_206, %dma_wait3A_207] : memref<10000x16xf32, #tpu.memory_space<hbm>> -> memref<10000x16xf32, #tpu.memory_space<hbm>>
        tpu.wait_indirect_dma semaphore(%arg19 : memref<!tpu.dma_semaphore, #tpu.memory_space<semaphore_mem>>) src(%dma_wait3A_208 : memref<10000x16xf32, #tpu.memory_space<hbm>>) dst(%dma_wait3A_204 : memref<400x16xf32, #tpu.memory_space<vmem>>)
        %mul3A_209 = arith.constant 50 : i32
        %mul3A_210 = arith.muli %add3A_181, %mul3A_209 : i32
        %add3A_211 = arith.addi %mul3A_4, %mul3A_210 : i32
        %dma_wait3A_212 = arith.constant 1 : i32
        %dma_wait3A_213 = arith.constant 0 : i32
        %dma_wait3A_214 = arith.constant 0 : i32
        %dma_wait3A_215 = tpu.memref_slice %arg12[%dma_wait3A_212, %dma_wait3A_213, %dma_wait3A_214] : memref<2x50x128xf32, #tpu.memory_space<vmem>> -> memref<1x50x128xf32, #tpu.memory_space<vmem>>
        %dma_wait3A_216 = tpu.memref_squeeze %dma_wait3A_215 : memref<1x50x128xf32, #tpu.memory_space<vmem>> -> memref<50x128xf32, #tpu.memory_space<vmem>>
        %dma_wait3A_217 = arith.constant 0 : i32
        %dma_wait3A_218 = tpu.memref_slice %arg4[%add3A_211, %dma_wait3A_217] : memref<40000x128xf32, #tpu.memory_space<hbm>> -> memref<50x128xf32, #tpu.memory_space<hbm>>
        %dma_wait3A_219 = arith.constant 0 : i32
        %dma_wait3A_220 = arith.constant 0 : i32
        %dma_wait3A_221 = tpu.memref_slice %arg12[%dma_wait3A_212, %dma_wait3A_219, %dma_wait3A_220] : memref<2x50x128xf32, #tpu.memory_space<vmem>> -> memref<1x50x128xf32, #tpu.memory_space<vmem>>
        %dma_wait3A_222 = tpu.memref_squeeze %dma_wait3A_221 : memref<1x50x128xf32, #tpu.memory_space<vmem>> -> memref<50x128xf32, #tpu.memory_space<vmem>>
        %dma_wait3A_223 = arith.constant 0 : i32
        %dma_wait3A_224 = tpu.memref_slice %arg4[%add3A_211, %dma_wait3A_223] : memref<40000x128xf32, #tpu.memory_space<hbm>> -> memref<50x128xf32, #tpu.memory_space<hbm>>
        tpu.wait_dma2 semaphore(%arg21 : memref<!tpu.dma_semaphore, #tpu.memory_space<semaphore_mem>>) src(%dma_wait3A_224 : memref<50x128xf32, #tpu.memory_space<hbm>>) dst(%dma_wait3A_222 : memref<50x128xf32, #tpu.memory_space<vmem>>)
        %scan3A_225 = arith.constant 0 : i32
        %scan3A_226 = arith.constant 0 : i32
        %scan3A_227 = arith.constant 50 : i32
        %scan3A_228 = arith.addi %scan3A_226, %scan3A_227 : i32
        %scan3A_229 = arith.constant 1 : i32
        %scan3A_230 = scf.for %scan3A_251 = %scan3A_226 to %scan3A_228 step %scan3A_229 iter_args(%scan3A_252 = %scan3A_225) -> (i32)  : i32 {
          %mul3A_253 = arith.constant 8 : i32
          %mul3A_254 = arith.muli %scan3A_251, %mul3A_253 : i32
          %add3A_255 = arith.constant 0 : i32
          %add3A_256 = arith.addi %mul3A_254, %add3A_255 : i32
          %get3A = arith.constant 1 : i32
          %get3A_257 = arith.index_cast %get3A : i32 to index
          %get3A_258 = arith.index_cast %add3A_256 : i32 to index
          %get3A_259 = arith.constant 0 : index
          %get3A_260 = tpu.vector_load %arg10[%get3A_257, %get3A_258, %get3A_259] {strides = array<i32>} : memref<2x400x16xf32, #tpu.memory_space<vmem>>, vector<1x1x16xf32>,
          %get3A_261 = vector.shape_cast %get3A_260 : vector<1x1x16xf32> to vector<16xf32>
          %get3A_262 = arith.constant 1 : i32
          %get3A_263 = arith.index_cast %get3A_262 : i32 to index
          %get3A_264 = arith.index_cast %add3A_256 : i32 to index
          %get3A_265 = arith.constant 0 : index
          %get3A_266 = tpu.vector_load %arg11[%get3A_263, %get3A_264, %get3A_265] {strides = array<i32>} : memref<2x400x16xf32, #tpu.memory_space<vmem>>, vector<1x1x16xf32>,
          %get3A_267 = vector.shape_cast %get3A_266 : vector<1x1x16xf32> to vector<16xf32>
          %add3A_268 = arith.addf %get3A_261, %get3A_267 : vector<16xf32>
          %get3A_269 = arith.constant 1 : i32
          %get3A_270 = arith.index_cast %get3A_269 : i32 to index
          %get3A_271 = arith.index_cast %scan3A_251 : i32 to index
          %get3A_272 = arith.constant 0 : index
          %get3A_273 = tpu.vector_load %arg12[%get3A_270, %get3A_271, %get3A_272] {strides = array<i32>} : memref<2x50x128xf32, #tpu.memory_space<vmem>>, vector<1x1x16xf32>,
          %get3A_274 = vector.shape_cast %get3A_273 : vector<1x1x16xf32> to vector<16xf32>
          %add3A_275 = arith.addf %add3A_268, %get3A_274 : vector<16xf32>
          %max3A = arith.constant 0.000000e+00 : f32
          %max3A_276 = vector.broadcast %max3A : f32 to vector<16xf32>
          %max3A_277 = arith.maximumf %add3A_275, %max3A_276 : vector<16xf32>
          %swap3A = arith.constant 1 : i32
          %swap3A_278 = arith.index_cast %swap3A : i32 to index
          %swap3A_279 = arith.index_cast %add3A_256 : i32 to index
          %swap3A_280 = arith.constant 0 : index
          %swap3A_281 = tpu.vector_load %arg13[%swap3A_278, %swap3A_279, %swap3A_280] {strides = array<i32>} : memref<2x400x16xf32, #tpu.memory_space<vmem>>, vector<1x1x16xf32>,
          %swap3A_282 = vector.shape_cast %swap3A_281 : vector<1x1x16xf32> to vector<16xf32>
          %swap3A_283 = vector.shape_cast %max3A_277 : vector<16xf32> to vector<1x1x16xf32>
          tpu.vector_store %arg13[%swap3A_278, %swap3A_279, %swap3A_280], %swap3A_283 {strides = array<i32>} : memref<2x400x16xf32, #tpu.memory_space<vmem>>, vector<1x1x16xf32>,
          %mul3A_284 = arith.constant 8 : i32
          %mul3A_285 = arith.muli %scan3A_251, %mul3A_284 : i32
          %add3A_286 = arith.constant 1 : i32
          %add3A_287 = arith.addi %mul3A_285, %add3A_286 : i32
          %get3A_288 = arith.constant 1 : i32
          %get3A_289 = arith.index_cast %get3A_288 : i32 to index
          %get3A_290 = arith.index_cast %add3A_287 : i32 to index
          %get3A_291 = arith.constant 0 : index
          %get3A_292 = tpu.vector_load %arg10[%get3A_289, %get3A_290, %get3A_291] {strides = array<i32>} : memref<2x400x16xf32, #tpu.memory_space<vmem>>, vector<1x1x16xf32>,
          %get3A_293 = vector.shape_cast %get3A_292 : vector<1x1x16xf32> to vector<16xf32>
          %get3A_294 = arith.constant 1 : i32
          %get3A_295 = arith.index_cast %get3A_294 : i32 to index
          %get3A_296 = arith.index_cast %add3A_287 : i32 to index
          %get3A_297 = arith.constant 0 : index
          %get3A_298 = tpu.vector_load %arg11[%get3A_295, %get3A_296, %get3A_297] {strides = array<i32>} : memref<2x400x16xf32, #tpu.memory_space<vmem>>, vector<1x1x16xf32>,
          %get3A_299 = vector.shape_cast %get3A_298 : vector<1x1x16xf32> to vector<16xf32>
          %add3A_300 = arith.addf %get3A_293, %get3A_299 : vector<16xf32>
          %get3A_301 = arith.constant 1 : i32
          %get3A_302 = arith.index_cast %get3A_301 : i32 to index
          %get3A_303 = arith.index_cast %scan3A_251 : i32 to index
          %get3A_304 = arith.constant 16 : index
          %get3A_305 = tpu.vector_load %arg12[%get3A_302, %get3A_303, %get3A_304] {strides = array<i32>} : memref<2x50x128xf32, #tpu.memory_space<vmem>>, vector<1x1x16xf32>,
          %get3A_306 = vector.shape_cast %get3A_305 : vector<1x1x16xf32> to vector<16xf32>
          %add3A_307 = arith.addf %add3A_300, %get3A_306 : vector<16xf32>
          %max3A_308 = arith.constant 0.000000e+00 : f32
          %max3A_309 = vector.broadcast %max3A_308 : f32 to vector<16xf32>
          %max3A_310 = arith.maximumf %add3A_307, %max3A_309 : vector<16xf32>
          %swap3A_311 = arith.constant 1 : i32
          %swap3A_312 = arith.index_cast %swap3A_311 : i32 to index
          %swap3A_313 = arith.index_cast %add3A_287 : i32 to index
          %swap3A_314 = arith.constant 0 : index
          %swap3A_315 = tpu.vector_load %arg13[%swap3A_312, %swap3A_313, %swap3A_314] {strides = array<i32>} : memref<2x400x16xf32, #tpu.memory_space<vmem>>, vector<1x1x16xf32>,
          %swap3A_316 = vector.shape_cast %swap3A_315 : vector<1x1x16xf32> to vector<16xf32>
          %swap3A_317 = vector.shape_cast %max3A_310 : vector<16xf32> to vector<1x1x16xf32>
          tpu.vector_store %arg13[%swap3A_312, %swap3A_313, %swap3A_314], %swap3A_317 {strides = array<i32>} : memref<2x400x16xf32, #tpu.memory_space<vmem>>, vector<1x1x16xf32>,
          %mul3A_318 = arith.constant 8 : i32
          %mul3A_319 = arith.muli %scan3A_251, %mul3A_318 : i32
          %add3A_320 = arith.constant 2 : i32
          %add3A_321 = arith.addi %mul3A_319, %add3A_320 : i32
          %get3A_322 = arith.constant 1 : i32
          %get3A_323 = arith.index_cast %get3A_322 : i32 to index
          %get3A_324 = arith.index_cast %add3A_321 : i32 to index
          %get3A_325 = arith.constant 0 : index
          %get3A_326 = tpu.vector_load %arg10[%get3A_323, %get3A_324, %get3A_325] {strides = array<i32>} : memref<2x400x16xf32, #tpu.memory_space<vmem>>, vector<1x1x16xf32>,
          %get3A_327 = vector.shape_cast %get3A_326 : vector<1x1x16xf32> to vector<16xf32>
          %get3A_328 = arith.constant 1 : i32
          %get3A_329 = arith.index_cast %get3A_328 : i32 to index
          %get3A_330 = arith.index_cast %add3A_321 : i32 to index
          %get3A_331 = arith.constant 0 : index
          %get3A_332 = tpu.vector_load %arg11[%get3A_329, %get3A_330, %get3A_331] {strides = array<i32>} : memref<2x400x16xf32, #tpu.memory_space<vmem>>, vector<1x1x16xf32>,
          %get3A_333 = vector.shape_cast %get3A_332 : vector<1x1x16xf32> to vector<16xf32>
          %add3A_334 = arith.addf %get3A_327, %get3A_333 : vector<16xf32>
          %get3A_335 = arith.constant 1 : i32
          %get3A_336 = arith.index_cast %get3A_335 : i32 to index
          %get3A_337 = arith.index_cast %scan3A_251 : i32 to index
          %get3A_338 = arith.constant 32 : index
          %get3A_339 = tpu.vector_load %arg12[%get3A_336, %get3A_337, %get3A_338] {strides = array<i32>} : memref<2x50x128xf32, #tpu.memory_space<vmem>>, vector<1x1x16xf32>,
          %get3A_340 = vector.shape_cast %get3A_339 : vector<1x1x16xf32> to vector<16xf32>
          %add3A_341 = arith.addf %add3A_334, %get3A_340 : vector<16xf32>
          %max3A_342 = arith.constant 0.000000e+00 : f32
          %max3A_343 = vector.broadcast %max3A_342 : f32 to vector<16xf32>
          %max3A_344 = arith.maximumf %add3A_341, %max3A_343 : vector<16xf32>
          %swap3A_345 = arith.constant 1 : i32
          %swap3A_346 = arith.index_cast %swap3A_345 : i32 to index
          %swap3A_347 = arith.index_cast %add3A_321 : i32 to index
          %swap3A_348 = arith.constant 0 : index
          %swap3A_349 = tpu.vector_load %arg13[%swap3A_346, %swap3A_347, %swap3A_348] {strides = array<i32>} : memref<2x400x16xf32, #tpu.memory_space<vmem>>, vector<1x1x16xf32>,
          %swap3A_350 = vector.shape_cast %swap3A_349 : vector<1x1x16xf32> to vector<16xf32>
          %swap3A_351 = vector.shape_cast %max3A_344 : vector<16xf32> to vector<1x1x16xf32>
          tpu.vector_store %arg13[%swap3A_346, %swap3A_347, %swap3A_348], %swap3A_351 {strides = array<i32>} : memref<2x400x16xf32, #tpu.memory_space<vmem>>, vector<1x1x16xf32>,
          %mul3A_352 = arith.constant 8 : i32
          %mul3A_353 = arith.muli %scan3A_251, %mul3A_352 : i32
          %add3A_354 = arith.constant 3 : i32
          %add3A_355 = arith.addi %mul3A_353, %add3A_354 : i32
          %get3A_356 = arith.constant 1 : i32
          %get3A_357 = arith.index_cast %get3A_356 : i32 to index
          %get3A_358 = arith.index_cast %add3A_355 : i32 to index
          %get3A_359 = arith.constant 0 : index
          %get3A_360 = tpu.vector_load %arg10[%get3A_357, %get3A_358, %get3A_359] {strides = array<i32>} : memref<2x400x16xf32, #tpu.memory_space<vmem>>, vector<1x1x16xf32>,
          %get3A_361 = vector.shape_cast %get3A_360 : vector<1x1x16xf32> to vector<16xf32>
          %get3A_362 = arith.constant 1 : i32
          %get3A_363 = arith.index_cast %get3A_362 : i32 to index
          %get3A_364 = arith.index_cast %add3A_355 : i32 to index
          %get3A_365 = arith.constant 0 : index
          %get3A_366 = tpu.vector_load %arg11[%get3A_363, %get3A_364, %get3A_365] {strides = array<i32>} : memref<2x400x16xf32, #tpu.memory_space<vmem>>, vector<1x1x16xf32>,
          %get3A_367 = vector.shape_cast %get3A_366 : vector<1x1x16xf32> to vector<16xf32>
          %add3A_368 = arith.addf %get3A_361, %get3A_367 : vector<16xf32>
          %get3A_369 = arith.constant 1 : i32
          %get3A_370 = arith.index_cast %get3A_369 : i32 to index
          %get3A_371 = arith.index_cast %scan3A_251 : i32 to index
          %get3A_372 = arith.constant 48 : index
          %get3A_373 = tpu.vector_load %arg12[%get3A_370, %get3A_371, %get3A_372] {strides = array<i32>} : memref<2x50x128xf32, #tpu.memory_space<vmem>>, vector<1x1x16xf32>,
          %get3A_374 = vector.shape_cast %get3A_373 : vector<1x1x16xf32> to vector<16xf32>
          %add3A_375 = arith.addf %add3A_368, %get3A_374 : vector<16xf32>
          %max3A_376 = arith.constant 0.000000e+00 : f32
          %max3A_377 = vector.broadcast %max3A_376 : f32 to vector<16xf32>
          %max3A_378 = arith.maximumf %add3A_375, %max3A_377 : vector<16xf32>
          %swap3A_379 = arith.constant 1 : i32
          %swap3A_380 = arith.index_cast %swap3A_379 : i32 to index
          %swap3A_381 = arith.index_cast %add3A_355 : i32 to index
          %swap3A_382 = arith.constant 0 : index
          %swap3A_383 = tpu.vector_load %arg13[%swap3A_380, %swap3A_381, %swap3A_382] {strides = array<i32>} : memref<2x400x16xf32, #tpu.memory_space<vmem>>, vector<1x1x16xf32>,
          %swap3A_384 = vector.shape_cast %swap3A_383 : vector<1x1x16xf32> to vector<16xf32>
          %swap3A_385 = vector.shape_cast %max3A_378 : vector<16xf32> to vector<1x1x16xf32>
          tpu.vector_store %arg13[%swap3A_380, %swap3A_381, %swap3A_382], %swap3A_385 {strides = array<i32>} : memref<2x400x16xf32, #tpu.memory_space<vmem>>, vector<1x1x16xf32>,
          %mul3A_386 = arith.constant 8 : i32
          %mul3A_387 = arith.muli %scan3A_251, %mul3A_386 : i32
          %add3A_388 = arith.constant 4 : i32
          %add3A_389 = arith.addi %mul3A_387, %add3A_388 : i32
          %get3A_390 = arith.constant 1 : i32
          %get3A_391 = arith.index_cast %get3A_390 : i32 to index
          %get3A_392 = arith.index_cast %add3A_389 : i32 to index
          %get3A_393 = arith.constant 0 : index
          %get3A_394 = tpu.vector_load %arg10[%get3A_391, %get3A_392, %get3A_393] {strides = array<i32>} : memref<2x400x16xf32, #tpu.memory_space<vmem>>, vector<1x1x16xf32>,
          %get3A_395 = vector.shape_cast %get3A_394 : vector<1x1x16xf32> to vector<16xf32>
          %get3A_396 = arith.constant 1 : i32
          %get3A_397 = arith.index_cast %get3A_396 : i32 to index
          %get3A_398 = arith.index_cast %add3A_389 : i32 to index
          %get3A_399 = arith.constant 0 : index
          %get3A_400 = tpu.vector_load %arg11[%get3A_397, %get3A_398, %get3A_399] {strides = array<i32>} : memref<2x400x16xf32, #tpu.memory_space<vmem>>, vector<1x1x16xf32>,
          %get3A_401 = vector.shape_cast %get3A_400 : vector<1x1x16xf32> to vector<16xf32>
          %add3A_402 = arith.addf %get3A_395, %get3A_401 : vector<16xf32>
          %get3A_403 = arith.constant 1 : i32
          %get3A_404 = arith.index_cast %get3A_403 : i32 to index
          %get3A_405 = arith.index_cast %scan3A_251 : i32 to index
          %get3A_406 = arith.constant 64 : index
          %get3A_407 = tpu.vector_load %arg12[%get3A_404, %get3A_405, %get3A_406] {strides = array<i32>} : memref<2x50x128xf32, #tpu.memory_space<vmem>>, vector<1x1x16xf32>,
          %get3A_408 = vector.shape_cast %get3A_407 : vector<1x1x16xf32> to vector<16xf32>
          %add3A_409 = arith.addf %add3A_402, %get3A_408 : vector<16xf32>
          %max3A_410 = arith.constant 0.000000e+00 : f32
          %max3A_411 = vector.broadcast %max3A_410 : f32 to vector<16xf32>
          %max3A_412 = arith.maximumf %add3A_409, %max3A_411 : vector<16xf32>
          %swap3A_413 = arith.constant 1 : i32
          %swap3A_414 = arith.index_cast %swap3A_413 : i32 to index
          %swap3A_415 = arith.index_cast %add3A_389 : i32 to index
          %swap3A_416 = arith.constant 0 : index
          %swap3A_417 = tpu.vector_load %arg13[%swap3A_414, %swap3A_415, %swap3A_416] {strides = array<i32>} : memref<2x400x16xf32, #tpu.memory_space<vmem>>, vector<1x1x16xf32>,
          %swap3A_418 = vector.shape_cast %swap3A_417 : vector<1x1x16xf32> to vector<16xf32>
          %swap3A_419 = vector.shape_cast %max3A_412 : vector<16xf32> to vector<1x1x16xf32>
          tpu.vector_store %arg13[%swap3A_414, %swap3A_415, %swap3A_416], %swap3A_419 {strides = array<i32>} : memref<2x400x16xf32, #tpu.memory_space<vmem>>, vector<1x1x16xf32>,
          %mul3A_420 = arith.constant 8 : i32
          %mul3A_421 = arith.muli %scan3A_251, %mul3A_420 : i32
          %add3A_422 = arith.constant 5 : i32
          %add3A_423 = arith.addi %mul3A_421, %add3A_422 : i32
          %get3A_424 = arith.constant 1 : i32
          %get3A_425 = arith.index_cast %get3A_424 : i32 to index
          %get3A_426 = arith.index_cast %add3A_423 : i32 to index
          %get3A_427 = arith.constant 0 : index
          %get3A_428 = tpu.vector_load %arg10[%get3A_425, %get3A_426, %get3A_427] {strides = array<i32>} : memref<2x400x16xf32, #tpu.memory_space<vmem>>, vector<1x1x16xf32>,
          %get3A_429 = vector.shape_cast %get3A_428 : vector<1x1x16xf32> to vector<16xf32>
          %get3A_430 = arith.constant 1 : i32
          %get3A_431 = arith.index_cast %get3A_430 : i32 to index
          %get3A_432 = arith.index_cast %add3A_423 : i32 to index
          %get3A_433 = arith.constant 0 : index
          %get3A_434 = tpu.vector_load %arg11[%get3A_431, %get3A_432, %get3A_433] {strides = array<i32>} : memref<2x400x16xf32, #tpu.memory_space<vmem>>, vector<1x1x16xf32>,
          %get3A_435 = vector.shape_cast %get3A_434 : vector<1x1x16xf32> to vector<16xf32>
          %add3A_436 = arith.addf %get3A_429, %get3A_435 : vector<16xf32>
          %get3A_437 = arith.constant 1 : i32
          %get3A_438 = arith.index_cast %get3A_437 : i32 to index
          %get3A_439 = arith.index_cast %scan3A_251 : i32 to index
          %get3A_440 = arith.constant 80 : index
          %get3A_441 = tpu.vector_load %arg12[%get3A_438, %get3A_439, %get3A_440] {strides = array<i32>} : memref<2x50x128xf32, #tpu.memory_space<vmem>>, vector<1x1x16xf32>,
          %get3A_442 = vector.shape_cast %get3A_441 : vector<1x1x16xf32> to vector<16xf32>
          %add3A_443 = arith.addf %add3A_436, %get3A_442 : vector<16xf32>
          %max3A_444 = arith.constant 0.000000e+00 : f32
          %max3A_445 = vector.broadcast %max3A_444 : f32 to vector<16xf32>
          %max3A_446 = arith.maximumf %add3A_443, %max3A_445 : vector<16xf32>
          %swap3A_447 = arith.constant 1 : i32
          %swap3A_448 = arith.index_cast %swap3A_447 : i32 to index
          %swap3A_449 = arith.index_cast %add3A_423 : i32 to index
          %swap3A_450 = arith.constant 0 : index
          %swap3A_451 = tpu.vector_load %arg13[%swap3A_448, %swap3A_449, %swap3A_450] {strides = array<i32>} : memref<2x400x16xf32, #tpu.memory_space<vmem>>, vector<1x1x16xf32>,
          %swap3A_452 = vector.shape_cast %swap3A_451 : vector<1x1x16xf32> to vector<16xf32>
          %swap3A_453 = vector.shape_cast %max3A_446 : vector<16xf32> to vector<1x1x16xf32>
          tpu.vector_store %arg13[%swap3A_448, %swap3A_449, %swap3A_450], %swap3A_453 {strides = array<i32>} : memref<2x400x16xf32, #tpu.memory_space<vmem>>, vector<1x1x16xf32>,
          %mul3A_454 = arith.constant 8 : i32
          %mul3A_455 = arith.muli %scan3A_251, %mul3A_454 : i32
          %add3A_456 = arith.constant 6 : i32
          %add3A_457 = arith.addi %mul3A_455, %add3A_456 : i32
          %get3A_458 = arith.constant 1 : i32
          %get3A_459 = arith.index_cast %get3A_458 : i32 to index
          %get3A_460 = arith.index_cast %add3A_457 : i32 to index
          %get3A_461 = arith.constant 0 : index
          %get3A_462 = tpu.vector_load %arg10[%get3A_459, %get3A_460, %get3A_461] {strides = array<i32>} : memref<2x400x16xf32, #tpu.memory_space<vmem>>, vector<1x1x16xf32>,
          %get3A_463 = vector.shape_cast %get3A_462 : vector<1x1x16xf32> to vector<16xf32>
          %get3A_464 = arith.constant 1 : i32
          %get3A_465 = arith.index_cast %get3A_464 : i32 to index
          %get3A_466 = arith.index_cast %add3A_457 : i32 to index
          %get3A_467 = arith.constant 0 : index
          %get3A_468 = tpu.vector_load %arg11[%get3A_465, %get3A_466, %get3A_467] {strides = array<i32>} : memref<2x400x16xf32, #tpu.memory_space<vmem>>, vector<1x1x16xf32>,
          %get3A_469 = vector.shape_cast %get3A_468 : vector<1x1x16xf32> to vector<16xf32>
          %add3A_470 = arith.addf %get3A_463, %get3A_469 : vector<16xf32>
          %get3A_471 = arith.constant 1 : i32
          %get3A_472 = arith.index_cast %get3A_471 : i32 to index
          %get3A_473 = arith.index_cast %scan3A_251 : i32 to index
          %get3A_474 = arith.constant 96 : index
          %get3A_475 = tpu.vector_load %arg12[%get3A_472, %get3A_473, %get3A_474] {strides = array<i32>} : memref<2x50x128xf32, #tpu.memory_space<vmem>>, vector<1x1x16xf32>,
          %get3A_476 = vector.shape_cast %get3A_475 : vector<1x1x16xf32> to vector<16xf32>
          %add3A_477 = arith.addf %add3A_470, %get3A_476 : vector<16xf32>
          %max3A_478 = arith.constant 0.000000e+00 : f32
          %max3A_479 = vector.broadcast %max3A_478 : f32 to vector<16xf32>
          %max3A_480 = arith.maximumf %add3A_477, %max3A_479 : vector<16xf32>
          %swap3A_481 = arith.constant 1 : i32
          %swap3A_482 = arith.index_cast %swap3A_481 : i32 to index
          %swap3A_483 = arith.index_cast %add3A_457 : i32 to index
          %swap3A_484 = arith.constant 0 : index
          %swap3A_485 = tpu.vector_load %arg13[%swap3A_482, %swap3A_483, %swap3A_484] {strides = array<i32>} : memref<2x400x16xf32, #tpu.memory_space<vmem>>, vector<1x1x16xf32>,
          %swap3A_486 = vector.shape_cast %swap3A_485 : vector<1x1x16xf32> to vector<16xf32>
          %swap3A_487 = vector.shape_cast %max3A_480 : vector<16xf32> to vector<1x1x16xf32>
          tpu.vector_store %arg13[%swap3A_482, %swap3A_483, %swap3A_484], %swap3A_487 {strides = array<i32>} : memref<2x400x16xf32, #tpu.memory_space<vmem>>, vector<1x1x16xf32>,
          %mul3A_488 = arith.constant 8 : i32
          %mul3A_489 = arith.muli %scan3A_251, %mul3A_488 : i32
          %add3A_490 = arith.constant 7 : i32
          %add3A_491 = arith.addi %mul3A_489, %add3A_490 : i32
          %get3A_492 = arith.constant 1 : i32
          %get3A_493 = arith.index_cast %get3A_492 : i32 to index
          %get3A_494 = arith.index_cast %add3A_491 : i32 to index
          %get3A_495 = arith.constant 0 : index
          %get3A_496 = tpu.vector_load %arg10[%get3A_493, %get3A_494, %get3A_495] {strides = array<i32>} : memref<2x400x16xf32, #tpu.memory_space<vmem>>, vector<1x1x16xf32>,
          %get3A_497 = vector.shape_cast %get3A_496 : vector<1x1x16xf32> to vector<16xf32>
          %get3A_498 = arith.constant 1 : i32
          %get3A_499 = arith.index_cast %get3A_498 : i32 to index
          %get3A_500 = arith.index_cast %add3A_491 : i32 to index
          %get3A_501 = arith.constant 0 : index
          %get3A_502 = tpu.vector_load %arg11[%get3A_499, %get3A_500, %get3A_501] {strides = array<i32>} : memref<2x400x16xf32, #tpu.memory_space<vmem>>, vector<1x1x16xf32>,
          %get3A_503 = vector.shape_cast %get3A_502 : vector<1x1x16xf32> to vector<16xf32>
          %add3A_504 = arith.addf %get3A_497, %get3A_503 : vector<16xf32>
          %get3A_505 = arith.constant 1 : i32
          %get3A_506 = arith.index_cast %get3A_505 : i32 to index
          %get3A_507 = arith.index_cast %scan3A_251 : i32 to index
          %get3A_508 = arith.constant 112 : index
          %get3A_509 = tpu.vector_load %arg12[%get3A_506, %get3A_507, %get3A_508] {strides = array<i32>} : memref<2x50x128xf32, #tpu.memory_space<vmem>>, vector<1x1x16xf32>,
          %get3A_510 = vector.shape_cast %get3A_509 : vector<1x1x16xf32> to vector<16xf32>
          %add3A_511 = arith.addf %add3A_504, %get3A_510 : vector<16xf32>
          %max3A_512 = arith.constant 0.000000e+00 : f32
          %max3A_513 = vector.broadcast %max3A_512 : f32 to vector<16xf32>
          %max3A_514 = arith.maximumf %add3A_511, %max3A_513 : vector<16xf32>
          %swap3A_515 = arith.constant 1 : i32
          %swap3A_516 = arith.index_cast %swap3A_515 : i32 to index
          %swap3A_517 = arith.index_cast %add3A_491 : i32 to index
          %swap3A_518 = arith.constant 0 : index
          %swap3A_519 = tpu.vector_load %arg13[%swap3A_516, %swap3A_517, %swap3A_518] {strides = array<i32>} : memref<2x400x16xf32, #tpu.memory_space<vmem>>, vector<1x1x16xf32>,
          %swap3A_520 = vector.shape_cast %swap3A_519 : vector<1x1x16xf32> to vector<16xf32>
          %swap3A_521 = vector.shape_cast %max3A_514 : vector<16xf32> to vector<1x1x16xf32>
          tpu.vector_store %arg13[%swap3A_516, %swap3A_517, %swap3A_518], %swap3A_521 {strides = array<i32>} : memref<2x400x16xf32, #tpu.memory_space<vmem>>, vector<1x1x16xf32>,
          %scan3A_522 = arith.constant 0 : i32
          scf.yield %scan3A_522 : i32
        }
        %scan3A_231 = arith.constant 50 : i32
        %mul3A_232 = arith.constant 400 : i32
        %mul3A_233 = arith.muli %add3A_181, %mul3A_232 : i32
        %add3A_234 = arith.addi %mul3A_2, %mul3A_233 : i32
        %dma_start3A_235 = arith.constant 1 : i32
        %dma_start3A_236 = arith.constant 0 : i32
        %dma_start3A_237 = arith.constant 0 : i32
        %dma_start3A_238 = tpu.memref_slice %arg13[%dma_start3A_235, %dma_start3A_236, %dma_start3A_237] : memref<2x400x16xf32, #tpu.memory_space<vmem>> -> memref<1x400x16xf32, #tpu.memory_space<vmem>>
        %dma_start3A_239 = tpu.memref_squeeze %dma_start3A_238 : memref<1x400x16xf32, #tpu.memory_space<vmem>> -> memref<400x16xf32, #tpu.memory_space<vmem>>
        %dma_start3A_240 = arith.constant 0 : i32
        %dma_start3A_241 = tpu.memref_slice %arg6[%add3A_234, %dma_start3A_240] : memref<320000x16xf32, #tpu.memory_space<hbm>> -> memref<400x16xf32, #tpu.memory_space<hbm>>
        %dma_start3A_242 = arith.constant 0 : i32
        %dma_start3A_243 = tpu.memref_slice %arg6[%add3A_234, %dma_start3A_242] : memref<320000x16xf32, #tpu.memory_space<hbm>> -> memref<400x16xf32, #tpu.memory_space<hbm>>
        %dma_start3A_244 = arith.constant 0 : i32
        %dma_start3A_245 = arith.constant 0 : i32
        %dma_start3A_246 = tpu.memref_slice %arg13[%dma_start3A_235, %dma_start3A_244, %dma_start3A_245] : memref<2x400x16xf32, #tpu.memory_space<vmem>> -> memref<1x400x16xf32, #tpu.memory_space<vmem>>
        %dma_start3A_247 = tpu.memref_squeeze %dma_start3A_246 : memref<1x400x16xf32, #tpu.memory_space<vmem>> -> memref<400x16xf32, #tpu.memory_space<vmem>>
        tpu.enqueue_dma source(%dma_start3A_247 : memref<400x16xf32, #tpu.memory_space<vmem>>) target(%dma_start3A_243 : memref<400x16xf32, #tpu.memory_space<hbm>>) target_semaphore(%arg23 : memref<!tpu.dma_semaphore, #tpu.memory_space<semaphore_mem>>)
        %mul3A_248 = arith.constant 400 : i32
        %mul3A_249 = arith.muli %add3A_181, %mul3A_248 : i32
        %run_scoped3A_250 = arith.constant 1 : i32
        "tpu.region"() ({
          %run_scoped3A_251 = tpu.sem_alloc : memref<!tpu.dma_semaphore, #tpu.memory_space<semaphore_mem>>
          %dma_start3A_252 = arith.constant 0 : i32
          %dma_start3A_253 = arith.constant 0 : i32
          %dma_start3A_254 = tpu.memref_slice %arg13[%run_scoped3A_250, %dma_start3A_252, %dma_start3A_253] : memref<2x400x16xf32, #tpu.memory_space<vmem>> -> memref<1x400x16xf32, #tpu.memory_space<vmem>>
          %dma_start3A_255 = tpu.memref_squeeze %dma_start3A_254 : memref<1x400x16xf32, #tpu.memory_space<vmem>> -> memref<400x16xf32, #tpu.memory_space<vmem>>
          %dma_start3A_256 = tpu.memref_slice %arg9[%mul3A_249] : memref<10000xi32, #tpu.memory_space<vmem>> -> memref<400xi32, #tpu.memory_space<vmem>>
          %dma_start3A_257 = arith.constant 0 : i32
          %dma_start3A_258 = arith.constant 0 : i32
          %dma_start3A_259 = tpu.memref_slice %arg15[%dma_start3A_257, %dma_start3A_258] : memref<10240x16xf32, #tpu.memory_space<vmem_shared>> -> memref<10240x16xf32, #tpu.memory_space<vmem_shared>>
          tpu.enqueue_indirect_dma source(%dma_start3A_255 : memref<400x16xf32, #tpu.memory_space<vmem>>) target(%dma_start3A_259 : memref<10240x16xf32, #tpu.memory_space<vmem_shared>>) offsets(%dma_start3A_256 : memref<400xi32, #tpu.memory_space<vmem>>) semaphore(%run_scoped3A_251 : memref<!tpu.dma_semaphore, #tpu.memory_space<semaphore_mem>>) {add = true}
          %dma_wait3A_260 = arith.constant 0 : i32
          %dma_wait3A_261 = arith.constant 0 : i32
          %dma_wait3A_262 = tpu.memref_slice %arg13[%run_scoped3A_250, %dma_wait3A_260, %dma_wait3A_261] : memref<2x400x16xf32, #tpu.memory_space<vmem>> -> memref<1x400x16xf32, #tpu.memory_space<vmem>>
          %dma_wait3A_263 = tpu.memref_squeeze %dma_wait3A_262 : memref<1x400x16xf32, #tpu.memory_space<vmem>> -> memref<400x16xf32, #tpu.memory_space<vmem>>
          %dma_wait3A_264 = tpu.memref_slice %arg9[%mul3A_249] : memref<10000xi32, #tpu.memory_space<vmem>> -> memref<400xi32, #tpu.memory_space<vmem>>
          %dma_wait3A_265 = arith.constant 0 : i32
          %dma_wait3A_266 = arith.constant 0 : i32
          %dma_wait3A_267 = tpu.memref_slice %arg15[%dma_wait3A_265, %dma_wait3A_266] : memref<10240x16xf32, #tpu.memory_space<vmem_shared>> -> memref<10240x16xf32, #tpu.memory_space<vmem_shared>>
          tpu.wait_indirect_dma semaphore(%run_scoped3A_251 : memref<!tpu.dma_semaphore, #tpu.memory_space<semaphore_mem>>) src(%dma_wait3A_263 : memref<400x16xf32, #tpu.memory_space<vmem>>) dst(%dma_wait3A_267 : memref<10240x16xf32, #tpu.memory_space<vmem_shared>>)
          tpu.yield
        }) : () -> ()
      } else {
      }
      %scan3A_179 = arith.constant 0 : i32
      scf.yield %scan3A_179 : i32
    }
    %scan3A_54 = arith.constant 13 : i32
    %add3A_55 = arith.constant 9600 : i32
    %add3A_56 = arith.addi %mul3A_2, %add3A_55 : i32
    %dma_wait3A = arith.constant 0 : i32
    %dma_wait3A_57 = arith.constant 0 : i32
    %dma_wait3A_58 = arith.constant 0 : i32
    %dma_wait3A_59 = tpu.memref_slice %arg13[%dma_wait3A, %dma_wait3A_57, %dma_wait3A_58] : memref<2x400x16xf32, #tpu.memory_space<vmem>> -> memref<1x400x16xf32, #tpu.memory_space<vmem>>
    %dma_wait3A_60 = tpu.memref_squeeze %dma_wait3A_59 : memref<1x400x16xf32, #tpu.memory_space<vmem>> -> memref<400x16xf32, #tpu.memory_space<vmem>>
    %dma_wait3A_61 = arith.constant 0 : i32
    %dma_wait3A_62 = tpu.memref_slice %arg6[%add3A_56, %dma_wait3A_61] : memref<320000x16xf32, #tpu.memory_space<hbm>> -> memref<400x16xf32, #tpu.memory_space<hbm>>
    %dma_wait3A_63 = arith.constant 0 : i32
    %dma_wait3A_64 = tpu.memref_slice %arg6[%add3A_56, %dma_wait3A_63] : memref<320000x16xf32, #tpu.memory_space<hbm>> -> memref<400x16xf32, #tpu.memory_space<hbm>>
    %dma_wait3A_65 = arith.constant 0 : i32
    %dma_wait3A_66 = arith.constant 0 : i32
    %dma_wait3A_67 = tpu.memref_slice %arg13[%dma_wait3A, %dma_wait3A_65, %dma_wait3A_66] : memref<2x400x16xf32, #tpu.memory_space<vmem>> -> memref<1x400x16xf32, #tpu.memory_space<vmem>>
    %dma_wait3A_68 = tpu.memref_squeeze %dma_wait3A_67 : memref<1x400x16xf32, #tpu.memory_space<vmem>> -> memref<400x16xf32, #tpu.memory_space<vmem>>
    tpu.wait_dma2 semaphore(%arg22 : memref<!tpu.dma_semaphore, #tpu.memory_space<semaphore_mem>>) src(%dma_wait3A_68 : memref<400x16xf32, #tpu.memory_space<vmem>>) dst(%dma_wait3A_64 : memref<400x16xf32, #tpu.memory_space<hbm>>)
    %add3A_69 = arith.constant 9200 : i32
    %add3A_70 = arith.addi %mul3A_2, %add3A_69 : i32
    %dma_wait3A_71 = arith.constant 1 : i32
    %dma_wait3A_72 = arith.constant 0 : i32
    %dma_wait3A_73 = arith.constant 0 : i32
    %dma_wait3A_74 = tpu.memref_slice %arg13[%dma_wait3A_71, %dma_wait3A_72, %dma_wait3A_73] : memref<2x400x16xf32, #tpu.memory_space<vmem>> -> memref<1x400x16xf32, #tpu.memory_space<vmem>>
    %dma_wait3A_75 = tpu.memref_squeeze %dma_wait3A_74 : memref<1x400x16xf32, #tpu.memory_space<vmem>> -> memref<400x16xf32, #tpu.memory_space<vmem>>
    %dma_wait3A_76 = arith.constant 0 : i32
    %dma_wait3A_77 = tpu.memref_slice %arg6[%add3A_70, %dma_wait3A_76] : memref<320000x16xf32, #tpu.memory_space<hbm>> -> memref<400x16xf32, #tpu.memory_space<hbm>>
    %dma_wait3A_78 = arith.constant 0 : i32
    %dma_wait3A_79 = tpu.memref_slice %arg6[%add3A_70, %dma_wait3A_78] : memref<320000x16xf32, #tpu.memory_space<hbm>> -> memref<400x16xf32, #tpu.memory_space<hbm>>
    %dma_wait3A_80 = arith.constant 0 : i32
    %dma_wait3A_81 = arith.constant 0 : i32
    %dma_wait3A_82 = tpu.memref_slice %arg13[%dma_wait3A_71, %dma_wait3A_80, %dma_wait3A_81] : memref<2x400x16xf32, #tpu.memory_space<vmem>> -> memref<1x400x16xf32, #tpu.memory_space<vmem>>
    %dma_wait3A_83 = tpu.memref_squeeze %dma_wait3A_82 : memref<1x400x16xf32, #tpu.memory_space<vmem>> -> memref<400x16xf32, #tpu.memory_space<vmem>>
    tpu.wait_dma2 semaphore(%arg23 : memref<!tpu.dma_semaphore, #tpu.memory_space<semaphore_mem>>) src(%dma_wait3A_83 : memref<400x16xf32, #tpu.memory_space<vmem>>) dst(%dma_wait3A_79 : memref<400x16xf32, #tpu.memory_space<hbm>>)
    %barrier3A_84 = arith.constant 0 : index
    tpu.barrier barrier_id(%barrier3A_84)
    %mul3A_85 = arith.constant 640 : i32
    %mul3A_86 = arith.muli %arg1, %mul3A_85 : i32
    %mul3A_87 = arith.constant 640 : i32
    %mul3A_88 = arith.muli %arg1, %mul3A_87 : i32
    "tpu.region"() ({
      %run_scoped3A_89 = tpu.sem_alloc : memref<!tpu.dma_semaphore, #tpu.memory_space<semaphore_mem>>
      %dma_start3A_90 = arith.constant 0 : i32
      %dma_start3A_91 = tpu.memref_slice %arg7[%arg0, %mul3A_88, %dma_start3A_90] : memref<2x10240x16xf32, #tpu.memory_space<hbm>> -> memref<1x640x16xf32, #tpu.memory_space<hbm>>
      %dma_start3A_92 = tpu.memref_squeeze %dma_start3A_91 : memref<1x640x16xf32, #tpu.memory_space<hbm>> -> memref<640x16xf32, #tpu.memory_space<hbm>>
      %dma_start3A_93 = arith.constant 0 : i32
      %dma_start3A_94 = tpu.memref_slice %arg15[%mul3A_86, %dma_start3A_93] : memref<10240x16xf32, #tpu.memory_space<vmem_shared>> -> memref<640x16xf32, #tpu.memory_space<vmem_shared>>
      tpu.enqueue_dma source(%dma_start3A_94 : memref<640x16xf32, #tpu.memory_space<vmem_shared>>) target(%dma_start3A_92 : memref<640x16xf32, #tpu.memory_space<hbm>>) target_semaphore(%run_scoped3A_89 : memref<!tpu.dma_semaphore, #tpu.memory_space<semaphore_mem>>)
      %dma_wait3A_95 = arith.constant 0 : i32
      %dma_wait3A_96 = tpu.memref_slice %arg7[%arg0, %mul3A_88, %dma_wait3A_95] : memref<2x10240x16xf32, #tpu.memory_space<hbm>> -> memref<1x640x16xf32, #tpu.memory_space<hbm>>
      %dma_wait3A_97 = tpu.memref_squeeze %dma_wait3A_96 : memref<1x640x16xf32, #tpu.memory_space<hbm>> -> memref<640x16xf32, #tpu.memory_space<hbm>>
      %dma_wait3A_98 = arith.constant 0 : i32
      %dma_wait3A_99 = tpu.memref_slice %arg15[%mul3A_86, %dma_wait3A_98] : memref<10240x16xf32, #tpu.memory_space<vmem_shared>> -> memref<640x16xf32, #tpu.memory_space<vmem_shared>>
      tpu.wait_dma2 semaphore(%run_scoped3A_89 : memref<!tpu.dma_semaphore, #tpu.memory_space<semaphore_mem>>) src(%dma_wait3A_99 : memref<640x16xf32, #tpu.memory_space<vmem_shared>>) dst(%dma_wait3A_97 : memref<640x16xf32, #tpu.memory_space<hbm>>)
      tpu.yield
    }) : () -> ()
    return
  }
}

module attributes {stable_mosaic.version = 14 : i64} {
  func.func @_tc_nodes_body(%arg0: i32, %arg1: memref<1000x128xf32, #tpu.memory_space<vmem>>, %arg2: memref<128x16xf32, #tpu.memory_space<vmem>>, %arg3: memref<128x16xf32, #tpu.memory_space<vmem>>, %arg4: memref<128x128xf32, #tpu.memory_space<vmem>>, %arg5: memref<1000x16xf32, #tpu.memory_space<vmem>>, %arg6: memref<1000x16xf32, #tpu.memory_space<vmem>>, %arg7: memref<1000x128xf32, #tpu.memory_space<vmem>>) attributes {dimension_semantics = [#tpu.dimension_semantics<arbitrary>], iteration_bounds = array<i64: 10>, scalar_prefetch = 0 : i64, scratch_operands = 0 : i64, tpu.core_type = #tpu.core_type<tc>, window_params = [{transform_indices = @transform_0, window_bounds = array<i64: 1000, 128>}, {pipeline_mode = #tpu.pipeline_mode<synchronous>, transform_indices = @transform_1, window_bounds = array<i64: 128, 16>}, {pipeline_mode = #tpu.pipeline_mode<synchronous>, transform_indices = @transform_2, window_bounds = array<i64: 128, 16>}, {pipeline_mode = #tpu.pipeline_mode<synchronous>, transform_indices = @transform_3, window_bounds = array<i64: 128, 128>}, {transform_indices = @transform_4, window_bounds = array<i64: 1000, 16>}, {transform_indices = @transform_5, window_bounds = array<i64: 1000, 16>}, {transform_indices = @transform_6, window_bounds = array<i64: 1000, 128>}]} {
    %get3A = arith.constant 0 : index
    %get3A_0 = arith.constant 0 : index
    %get3A_1 = vector.load %arg1[%get3A, %get3A_0] : memref<1000x128xf32, #tpu.memory_space<vmem>>, vector<1000x128xf32>
    %get3A_2 = arith.constant 0 : index
    %get3A_3 = arith.constant 0 : index
    %get3A_4 = vector.load %arg2[%get3A_2, %get3A_3] : memref<128x16xf32, #tpu.memory_space<vmem>>, vector<128x16xf32>
    %dot_general3A = arith.constant dense<0.000000e+00> : vector<1000x16xf32>
    %dot_general3A_5 = tpu.matmul %get3A_1, %get3A_4, %dot_general3A {dimension_numbers = #tpu.dot_dimension_numbers<[1], [0], [0], [1], [0, 0, 1, 1], [], []>, transpose_lhs_hint = false} : vector<1000x128xf32>, vector<128x16xf32>, vector<1000x16xf32> -> vector<1000x16xf32>
    %swap3A = arith.constant 0 : index
    %swap3A_6 = arith.constant 0 : index
    %swap3A_7 = vector.load %arg5[%swap3A, %swap3A_6] : memref<1000x16xf32, #tpu.memory_space<vmem>>, vector<1000x16xf32>
    tpu.vector_store %arg5[%swap3A, %swap3A_6], %dot_general3A_5 {strides = array<i32>} : memref<1000x16xf32, #tpu.memory_space<vmem>>, vector<1000x16xf32>,
    %get3A_8 = arith.constant 0 : index
    %get3A_9 = arith.constant 0 : index
    %get3A_10 = vector.load %arg3[%get3A_8, %get3A_9] : memref<128x16xf32, #tpu.memory_space<vmem>>, vector<128x16xf32>
    %dot_general3A_11 = arith.constant dense<0.000000e+00> : vector<1000x16xf32>
    %dot_general3A_12 = tpu.matmul %get3A_1, %get3A_10, %dot_general3A_11 {dimension_numbers = #tpu.dot_dimension_numbers<[1], [0], [0], [1], [0, 0, 1, 1], [], []>, transpose_lhs_hint = false} : vector<1000x128xf32>, vector<128x16xf32>, vector<1000x16xf32> -> vector<1000x16xf32>
    %swap3A_13 = arith.constant 0 : index
    %swap3A_14 = arith.constant 0 : index
    %swap3A_15 = vector.load %arg6[%swap3A_13, %swap3A_14] : memref<1000x16xf32, #tpu.memory_space<vmem>>, vector<1000x16xf32>
    tpu.vector_store %arg6[%swap3A_13, %swap3A_14], %dot_general3A_12 {strides = array<i32>} : memref<1000x16xf32, #tpu.memory_space<vmem>>, vector<1000x16xf32>,
    %get3A_16 = arith.constant 0 : index
    %get3A_17 = arith.constant 0 : index
    %get3A_18 = vector.load %arg4[%get3A_16, %get3A_17] : memref<128x128xf32, #tpu.memory_space<vmem>>, vector<128x128xf32>
    %dot_general3A_19 = arith.constant dense<0.000000e+00> : vector<1000x128xf32>
    %dot_general3A_20 = tpu.matmul %get3A_1, %get3A_18, %dot_general3A_19 {dimension_numbers = #tpu.dot_dimension_numbers<[1], [0], [0], [1], [0, 0, 1, 1], [], []>, transpose_lhs_hint = false} : vector<1000x128xf32>, vector<128x128xf32>, vector<1000x128xf32> -> vector<1000x128xf32>
    %swap3A_21 = arith.constant 0 : index
    %swap3A_22 = arith.constant 0 : index
    %swap3A_23 = vector.load %arg7[%swap3A_21, %swap3A_22] : memref<1000x128xf32, #tpu.memory_space<vmem>>, vector<1000x128xf32>
    tpu.vector_store %arg7[%swap3A_21, %swap3A_22], %dot_general3A_20 {strides = array<i32>} : memref<1000x128xf32, #tpu.memory_space<vmem>>, vector<1000x128xf32>,
    return
  }
  func.func @transform_0(%arg0: i32) -> (i32, i32) {
    %c0_i32 = arith.constant 0 : i32
    %c0_i32_0 = arith.constant 0 : i32
    return %arg0, %c0_i32 : i32, i32
  }
  func.func @transform_1(%arg0: i32) -> (i32, i32) {
    %c0_i32 = arith.constant 0 : i32
    %c0_i32_0 = arith.constant 0 : i32
    %c0_i32_1 = arith.constant 0 : i32
    return %c0_i32, %c0_i32_0 : i32, i32
  }
  func.func @transform_2(%arg0: i32) -> (i32, i32) {
    %c0_i32 = arith.constant 0 : i32
    %c0_i32_0 = arith.constant 0 : i32
    %c0_i32_1 = arith.constant 0 : i32
    return %c0_i32, %c0_i32_0 : i32, i32
  }
  func.func @transform_3(%arg0: i32) -> (i32, i32) {
    %c0_i32 = arith.constant 0 : i32
    %c0_i32_0 = arith.constant 0 : i32
    %c0_i32_1 = arith.constant 0 : i32
    return %c0_i32, %c0_i32_0 : i32, i32
  }
  func.func @transform_4(%arg0: i32) -> (i32, i32) {
    %c0_i32 = arith.constant 0 : i32
    %c0_i32_0 = arith.constant 0 : i32
    return %arg0, %c0_i32 : i32, i32
  }
  func.func @transform_5(%arg0: i32) -> (i32, i32) {
    %c0_i32 = arith.constant 0 : i32
    %c0_i32_0 = arith.constant 0 : i32
    return %arg0, %c0_i32 : i32, i32
  }
  func.func @transform_6(%arg0: i32) -> (i32, i32) {
    %c0_i32 = arith.constant 0 : i32
    %c0_i32_0 = arith.constant 0 : i32
    return %arg0, %c0_i32 : i32, i32
  }
}

module attributes {stable_mosaic.version = 14 : i64} {
  func.func @_tc_edges_body(%arg0: i32, %arg1: memref<4000x128xf32, #tpu.memory_space<vmem>>, %arg2: memref<128x128xf32, #tpu.memory_space<vmem>>, %arg3: memref<1x32xf32, #tpu.memory_space<vmem>>, %arg4: memref<32x16xf32, #tpu.memory_space<vmem>>, %arg5: memref<1x16xf32, #tpu.memory_space<vmem>>, %arg6: memref<4000x128xf32, #tpu.memory_space<vmem>>) attributes {dimension_semantics = [#tpu.dimension_semantics<arbitrary>], iteration_bounds = array<i64: 10>, scalar_prefetch = 0 : i64, scratch_operands = 0 : i64, tpu.core_type = #tpu.core_type<tc>, window_params = [{transform_indices = @transform_0, window_bounds = array<i64: 4000, 128>}, {pipeline_mode = #tpu.pipeline_mode<synchronous>, transform_indices = @transform_1, window_bounds = array<i64: 128, 128>}, {pipeline_mode = #tpu.pipeline_mode<synchronous>, transform_indices = @transform_2, window_bounds = array<i64: 1, 32>}, {pipeline_mode = #tpu.pipeline_mode<synchronous>, transform_indices = @transform_3, window_bounds = array<i64: 32, 16>}, {pipeline_mode = #tpu.pipeline_mode<synchronous>, transform_indices = @transform_4, window_bounds = array<i64: 1, 16>}, {transform_indices = @transform_5, window_bounds = array<i64: 4000, 128>}]} {
    %get3A = arith.constant 0 : index
    %get3A_0 = arith.constant 0 : index
    %get3A_1 = vector.load %arg3[%get3A, %get3A_0] : memref<1x32xf32, #tpu.memory_space<vmem>>, vector<1x32xf32>
    %get3A_2 = arith.constant 0 : index
    %get3A_3 = arith.constant 0 : index
    %get3A_4 = vector.load %arg4[%get3A_2, %get3A_3] : memref<32x16xf32, #tpu.memory_space<vmem>>, vector<32x16xf32>
    %dot_general3A = arith.constant dense<0.000000e+00> : vector<1x16xf32>
    %dot_general3A_5 = tpu.matmul %get3A_1, %get3A_4, %dot_general3A {dimension_numbers = #tpu.dot_dimension_numbers<[1], [0], [0], [1], [0, 0, 1, 1], [], []>, transpose_lhs_hint = false} : vector<1x32xf32>, vector<32x16xf32>, vector<1x16xf32> -> vector<1x16xf32>
    %get3A_6 = arith.constant 0 : index
    %get3A_7 = arith.constant 0 : index
    %get3A_8 = vector.load %arg5[%get3A_6, %get3A_7] : memref<1x16xf32, #tpu.memory_space<vmem>>, vector<1x16xf32>
    %add3A = arith.addf %dot_general3A_5, %get3A_8 : vector<1x16xf32>
    %concatenate3A = tpu.concatenate %add3A, %add3A, %add3A, %add3A, %add3A, %add3A, %add3A, %add3A in 1 : vector<1x16xf32>, vector<1x16xf32>, vector<1x16xf32>, vector<1x16xf32>, vector<1x16xf32>, vector<1x16xf32>, vector<1x16xf32>, vector<1x16xf32> -> vector<1x128xf32>
    %get3A_9 = arith.constant 0 : index
    %get3A_10 = arith.constant 0 : index
    %get3A_11 = vector.load %arg1[%get3A_9, %get3A_10] : memref<4000x128xf32, #tpu.memory_space<vmem>>, vector<4000x128xf32>
    %get3A_12 = arith.constant 0 : index
    %get3A_13 = arith.constant 0 : index
    %get3A_14 = vector.load %arg2[%get3A_12, %get3A_13] : memref<128x128xf32, #tpu.memory_space<vmem>>, vector<128x128xf32>
    %dot_general3A_15 = arith.constant dense<0.000000e+00> : vector<4000x128xf32>
    %dot_general3A_16 = tpu.matmul %get3A_11, %get3A_14, %dot_general3A_15 {dimension_numbers = #tpu.dot_dimension_numbers<[1], [0], [0], [1], [0, 0, 1, 1], [], []>, transpose_lhs_hint = false} : vector<4000x128xf32>, vector<128x128xf32>, vector<4000x128xf32> -> vector<4000x128xf32>
    %add3A_17 = vector.broadcast %concatenate3A : vector<1x128xf32> to vector<4000x128xf32>
    %add3A_18 = arith.addf %dot_general3A_16, %add3A_17 : vector<4000x128xf32>
    %swap3A = arith.constant 0 : index
    %swap3A_19 = arith.constant 0 : index
    %swap3A_20 = vector.load %arg6[%swap3A, %swap3A_19] : memref<4000x128xf32, #tpu.memory_space<vmem>>, vector<4000x128xf32>
    tpu.vector_store %arg6[%swap3A, %swap3A_19], %add3A_18 {strides = array<i32>} : memref<4000x128xf32, #tpu.memory_space<vmem>>, vector<4000x128xf32>,
    return
  }
  func.func @transform_0(%arg0: i32) -> (i32, i32) {
    %c0_i32 = arith.constant 0 : i32
    %c0_i32_0 = arith.constant 0 : i32
    return %arg0, %c0_i32 : i32, i32
  }
  func.func @transform_1(%arg0: i32) -> (i32, i32) {
    %c0_i32 = arith.constant 0 : i32
    %c0_i32_0 = arith.constant 0 : i32
    %c0_i32_1 = arith.constant 0 : i32
    return %c0_i32, %c0_i32_0 : i32, i32
  }
  func.func @transform_2(%arg0: i32) -> (i32, i32) {
    %c0_i32 = arith.constant 0 : i32
    %c0_i32_0 = arith.constant 0 : i32
    %c0_i32_1 = arith.constant 0 : i32
    return %c0_i32, %c0_i32_0 : i32, i32
  }
  func.func @transform_3(%arg0: i32) -> (i32, i32) {
    %c0_i32 = arith.constant 0 : i32
    %c0_i32_0 = arith.constant 0 : i32
    %c0_i32_1 = arith.constant 0 : i32
    return %c0_i32, %c0_i32_0 : i32, i32
  }
  func.func @transform_4(%arg0: i32) -> (i32, i32) {
    %c0_i32 = arith.constant 0 : i32
    %c0_i32_0 = arith.constant 0 : i32
    %c0_i32_1 = arith.constant 0 : i32
    return %c0_i32, %c0_i32_0 : i32, i32
  }
  func.func @transform_5(%arg0: i32) -> (i32, i32) {
    %c0_i32 = arith.constant 0 : i32
    %c0_i32_0 = arith.constant 0 : i32
    return %arg0, %c0_i32 : i32, i32
  }
}

module attributes {stable_mosaic.version = 14 : i64} {
  func.func @_tc_node_global_body(%arg0: i32, %arg1: memref<2x1000x16xf32, #tpu.memory_space<vmem>>, %arg2: memref<1000x128xf32, #tpu.memory_space<vmem>>, %arg3: memref<16x128xf32, #tpu.memory_space<vmem>>, %arg4: memref<1x128xf32, #tpu.memory_space<vmem>>, %arg5: memref<128x32xf32, #tpu.memory_space<vmem>>, %arg6: memref<16x32xf32, #tpu.memory_space<vmem>>, %arg7: memref<32x32xf32, #tpu.memory_space<vmem>>, %arg8: memref<1x32xf32, #tpu.memory_space<vmem>>, %arg9: memref<1x32xf32, #tpu.memory_space<vmem>>, %arg10: memref<1000x128xf32, #tpu.memory_space<vmem>>, %arg11: memref<1x32xf32, #tpu.memory_space<vmem>>, %arg12: memref<1x128xf32, #tpu.memory_space<vmem>>, %arg13: memref<1x16xf32, #tpu.memory_space<vmem>>) attributes {dimension_semantics = [#tpu.dimension_semantics<arbitrary>], iteration_bounds = array<i64: 10>, scalar_prefetch = 0 : i64, scratch_operands = 2 : i64, tpu.core_type = #tpu.core_type<tc>, window_params = [{transform_indices = @transform_0, window_bounds = array<i64: 2, 1000, 16>}, {transform_indices = @transform_1, window_bounds = array<i64: 1000, 128>}, {pipeline_mode = #tpu.pipeline_mode<synchronous>, transform_indices = @transform_2, window_bounds = array<i64: 16, 128>}, {pipeline_mode = #tpu.pipeline_mode<synchronous>, transform_indices = @transform_3, window_bounds = array<i64: 1, 128>}, {pipeline_mode = #tpu.pipeline_mode<synchronous>, transform_indices = @transform_4, window_bounds = array<i64: 128, 32>}, {pipeline_mode = #tpu.pipeline_mode<synchronous>, transform_indices = @transform_5, window_bounds = array<i64: 16, 32>}, {pipeline_mode = #tpu.pipeline_mode<synchronous>, transform_indices = @transform_6, window_bounds = array<i64: 32, 32>}, {pipeline_mode = #tpu.pipeline_mode<synchronous>, transform_indices = @transform_7, window_bounds = array<i64: 1, 32>}, {pipeline_mode = #tpu.pipeline_mode<synchronous>, transform_indices = @transform_8, window_bounds = array<i64: 1, 32>}, {transform_indices = @transform_9, window_bounds = array<i64: 1000, 128>}, {pipeline_mode = #tpu.pipeline_mode<synchronous>, transform_indices = @transform_10, window_bounds = array<i64: 1, 32>}]} {
    %get3A = arith.constant 0 : index
    %get3A_0 = arith.constant 0 : index
    %get3A_1 = arith.constant 0 : index
    %get3A_2 = vector.load %arg1[%get3A, %get3A_0, %get3A_1] : memref<2x1000x16xf32, #tpu.memory_space<vmem>>, vector<1x1000x16xf32>
    %get3A_3 = vector.shape_cast %get3A_2 : vector<1x1000x16xf32> to vector<1000x16xf32>
    %get3A_4 = arith.constant 1 : index
    %get3A_5 = arith.constant 0 : index
    %get3A_6 = arith.constant 0 : index
    %get3A_7 = vector.load %arg1[%get3A_4, %get3A_5, %get3A_6] : memref<2x1000x16xf32, #tpu.memory_space<vmem>>, vector<1x1000x16xf32>
    %get3A_8 = vector.shape_cast %get3A_7 : vector<1x1000x16xf32> to vector<1000x16xf32>
    %add3A = arith.addf %get3A_3, %get3A_8 : vector<1000x16xf32>
    %get3A_9 = arith.constant 0 : index
    %get3A_10 = arith.constant 0 : index
    %get3A_11 = vector.load %arg2[%get3A_9, %get3A_10] : memref<1000x128xf32, #tpu.memory_space<vmem>>, vector<1000x128xf32>
    %get3A_12 = arith.constant 0 : index
    %get3A_13 = arith.constant 0 : index
    %get3A_14 = vector.load %arg3[%get3A_12, %get3A_13] : memref<16x128xf32, #tpu.memory_space<vmem>>, vector<16x128xf32>
    %dot_general3A = arith.constant dense<0.000000e+00> : vector<1000x128xf32>
    %dot_general3A_15 = tpu.matmul %add3A, %get3A_14, %dot_general3A {dimension_numbers = #tpu.dot_dimension_numbers<[1], [0], [0], [1], [0, 0, 1, 1], [], []>, transpose_lhs_hint = false} : vector<1000x16xf32>, vector<16x128xf32>, vector<1000x128xf32> -> vector<1000x128xf32>
    %add3A_16 = arith.addf %get3A_11, %dot_general3A_15 : vector<1000x128xf32>
    %get3A_17 = arith.constant 0 : index
    %get3A_18 = arith.constant 0 : index
    %get3A_19 = vector.load %arg4[%get3A_17, %get3A_18] : memref<1x128xf32, #tpu.memory_space<vmem>>, vector<1x128xf32>
    %add3A_20 = vector.broadcast %get3A_19 : vector<1x128xf32> to vector<1000x128xf32>
    %add3A_21 = arith.addf %add3A_16, %add3A_20 : vector<1000x128xf32>
    %max3A = arith.constant 0.000000e+00 : f32
    %max3A_22 = vector.broadcast %max3A : f32 to vector<1000x128xf32>
    %max3A_23 = arith.maximumf %add3A_21, %max3A_22 : vector<1000x128xf32>
    %swap3A = arith.constant 0 : index
    %swap3A_24 = arith.constant 0 : index
    %swap3A_25 = vector.load %arg10[%swap3A, %swap3A_24] : memref<1000x128xf32, #tpu.memory_space<vmem>>, vector<1000x128xf32>
    tpu.vector_store %arg10[%swap3A, %swap3A_24], %max3A_23 {strides = array<i32>} : memref<1000x128xf32, #tpu.memory_space<vmem>>, vector<1000x128xf32>,
    %eq3A = arith.constant 0 : i32
    %eq3A_26 = arith.cmpi eq, %arg0, %eq3A : i32
    %convert_element_type3A = arith.extui %eq3A_26 : i1 to i32
    %cond3A = arith.constant 0 : i32
    %cond3A_27 = arith.cmpi ne, %convert_element_type3A, %cond3A : i32
    scf.if %cond3A_27 {
      %broadcast_in_dim3A_51 = arith.constant 0.000000e+00 : f32
      %broadcast_in_dim3A_52 = vector.broadcast %broadcast_in_dim3A_51 : f32 to vector<1x128xf32>
      %swap3A_53 = arith.constant 0 : index
      %swap3A_54 = arith.constant 0 : index
      %swap3A_55 = vector.load %arg12[%swap3A_53, %swap3A_54] : memref<1x128xf32, #tpu.memory_space<vmem>>, vector<1x128xf32>
      tpu.vector_store %arg12[%swap3A_53, %swap3A_54], %broadcast_in_dim3A_52 {strides = array<i32>} : memref<1x128xf32, #tpu.memory_space<vmem>>, vector<1x128xf32>,
      %broadcast_in_dim3A_56 = arith.constant 0.000000e+00 : f32
      %broadcast_in_dim3A_57 = vector.broadcast %broadcast_in_dim3A_56 : f32 to vector<1x16xf32>
      %swap3A_58 = arith.constant 0 : index
      %swap3A_59 = arith.constant 0 : index
      %swap3A_60 = vector.load %arg13[%swap3A_58, %swap3A_59] : memref<1x16xf32, #tpu.memory_space<vmem>>, vector<1x16xf32>
      tpu.vector_store %arg13[%swap3A_58, %swap3A_59], %broadcast_in_dim3A_57 {strides = array<i32>} : memref<1x16xf32, #tpu.memory_space<vmem>>, vector<1x16xf32>,
    } else {
    }
    %get3A_28 = arith.constant 0 : index
    %get3A_29 = arith.constant 0 : index
    %get3A_30 = vector.load %arg12[%get3A_28, %get3A_29] : memref<1x128xf32, #tpu.memory_space<vmem>>, vector<1x128xf32>
    %reduce_sum3A = arith.constant dense<0.000000e+00> : vector<128xf32>
    %reduce_sum3A_31 = vector.multi_reduction <add>, %max3A_23, %reduce_sum3A [0] : vector<1000x128xf32> to vector<128xf32>
    %broadcast_in_dim3A = vector.shape_cast %reduce_sum3A_31 : vector<128xf32> to vector<1x128xf32>
    %add3A_32 = arith.addf %get3A_30, %broadcast_in_dim3A : vector<1x128xf32>
    %swap3A_33 = arith.constant 0 : index
    %swap3A_34 = arith.constant 0 : index
    %swap3A_35 = vector.load %arg12[%swap3A_33, %swap3A_34] : memref<1x128xf32, #tpu.memory_space<vmem>>, vector<1x128xf32>
    tpu.vector_store %arg12[%swap3A_33, %swap3A_34], %add3A_32 {strides = array<i32>} : memref<1x128xf32, #tpu.memory_space<vmem>>, vector<1x128xf32>,
    %get3A_36 = arith.constant 0 : index
    %get3A_37 = arith.constant 0 : index
    %get3A_38 = vector.load %arg13[%get3A_36, %get3A_37] : memref<1x16xf32, #tpu.memory_space<vmem>>, vector<1x16xf32>
    %reduce_sum3A_39 = arith.constant dense<0.000000e+00> : vector<16xf32>
    %reduce_sum3A_40 = vector.multi_reduction <add>, %add3A, %reduce_sum3A_39 [0] : vector<1000x16xf32> to vector<16xf32>
    %broadcast_in_dim3A_41 = vector.shape_cast %reduce_sum3A_40 : vector<16xf32> to vector<1x16xf32>
    %add3A_42 = arith.addf %get3A_38, %broadcast_in_dim3A_41 : vector<1x16xf32>
    %swap3A_43 = arith.constant 0 : index
    %swap3A_44 = arith.constant 0 : index
    %swap3A_45 = vector.load %arg13[%swap3A_43, %swap3A_44] : memref<1x16xf32, #tpu.memory_space<vmem>>, vector<1x16xf32>
    tpu.vector_store %arg13[%swap3A_43, %swap3A_44], %add3A_42 {strides = array<i32>} : memref<1x16xf32, #tpu.memory_space<vmem>>, vector<1x16xf32>,
    %eq3A_46 = arith.constant 9 : i32
    %eq3A_47 = arith.cmpi eq, %arg0, %eq3A_46 : i32
    %convert_element_type3A_48 = arith.extui %eq3A_47 : i1 to i32
    %cond3A_49 = arith.constant 0 : i32
    %cond3A_50 = arith.cmpi ne, %convert_element_type3A_48, %cond3A_49 : i32
    scf.if %cond3A_50 {
      %get3A_51 = arith.constant 0 : index
      %get3A_52 = arith.constant 0 : index
      %get3A_53 = vector.load %arg12[%get3A_51, %get3A_52] : memref<1x128xf32, #tpu.memory_space<vmem>>, vector<1x128xf32>
      %div3A = arith.constant 1.000000e+04 : f32
      %div3A_54 = vector.broadcast %div3A : f32 to vector<1x128xf32>
      %div3A_55 = arith.divf %get3A_53, %div3A_54 : vector<1x128xf32>
      %get3A_56 = arith.constant 0 : index
      %get3A_57 = arith.constant 0 : index
      %get3A_58 = vector.load %arg13[%get3A_56, %get3A_57] : memref<1x16xf32, #tpu.memory_space<vmem>>, vector<1x16xf32>
      %div3A_59 = arith.constant 3.200000e+05 : f32
      %div3A_60 = vector.broadcast %div3A_59 : f32 to vector<1x16xf32>
      %div3A_61 = arith.divf %get3A_58, %div3A_60 : vector<1x16xf32>
      %get3A_62 = arith.constant 0 : index
      %get3A_63 = arith.constant 0 : index
      %get3A_64 = vector.load %arg5[%get3A_62, %get3A_63] : memref<128x32xf32, #tpu.memory_space<vmem>>, vector<128x32xf32>
      %dot_general3A_65 = arith.constant dense<0.000000e+00> : vector<1x32xf32>
      %dot_general3A_66 = tpu.matmul %div3A_55, %get3A_64, %dot_general3A_65 {dimension_numbers = #tpu.dot_dimension_numbers<[1], [0], [0], [1], [0, 0, 1, 1], [], []>, transpose_lhs_hint = false} : vector<1x128xf32>, vector<128x32xf32>, vector<1x32xf32> -> vector<1x32xf32>
      %get3A_67 = arith.constant 0 : index
      %get3A_68 = arith.constant 0 : index
      %get3A_69 = vector.load %arg6[%get3A_67, %get3A_68] : memref<16x32xf32, #tpu.memory_space<vmem>>, vector<16x32xf32>
      %dot_general3A_70 = arith.constant dense<0.000000e+00> : vector<1x32xf32>
      %dot_general3A_71 = tpu.matmul %div3A_61, %get3A_69, %dot_general3A_70 {dimension_numbers = #tpu.dot_dimension_numbers<[1], [0], [0], [1], [0, 0, 1, 1], [], []>, transpose_lhs_hint = false} : vector<1x16xf32>, vector<16x32xf32>, vector<1x32xf32> -> vector<1x32xf32>
      %add3A_72 = arith.addf %dot_general3A_66, %dot_general3A_71 : vector<1x32xf32>
      %get3A_73 = arith.constant 0 : index
      %get3A_74 = arith.constant 0 : index
      %get3A_75 = vector.load %arg9[%get3A_73, %get3A_74] : memref<1x32xf32, #tpu.memory_space<vmem>>, vector<1x32xf32>
      %get3A_76 = arith.constant 0 : index
      %get3A_77 = arith.constant 0 : index
      %get3A_78 = vector.load %arg7[%get3A_76, %get3A_77] : memref<32x32xf32, #tpu.memory_space<vmem>>, vector<32x32xf32>
      %dot_general3A_79 = arith.constant dense<0.000000e+00> : vector<1x32xf32>
      %dot_general3A_80 = tpu.matmul %get3A_75, %get3A_78, %dot_general3A_79 {dimension_numbers = #tpu.dot_dimension_numbers<[1], [0], [0], [1], [0, 0, 1, 1], [], []>, transpose_lhs_hint = false} : vector<1x32xf32>, vector<32x32xf32>, vector<1x32xf32> -> vector<1x32xf32>
      %add3A_81 = arith.addf %add3A_72, %dot_general3A_80 : vector<1x32xf32>
      %get3A_82 = arith.constant 0 : index
      %get3A_83 = arith.constant 0 : index
      %get3A_84 = vector.load %arg8[%get3A_82, %get3A_83] : memref<1x32xf32, #tpu.memory_space<vmem>>, vector<1x32xf32>
      %add3A_85 = arith.addf %add3A_81, %get3A_84 : vector<1x32xf32>
      %swap3A_86 = arith.constant 0 : index
      %swap3A_87 = arith.constant 0 : index
      %swap3A_88 = vector.load %arg11[%swap3A_86, %swap3A_87] : memref<1x32xf32, #tpu.memory_space<vmem>>, vector<1x32xf32>
      tpu.vector_store %arg11[%swap3A_86, %swap3A_87], %add3A_85 {strides = array<i32>} : memref<1x32xf32, #tpu.memory_space<vmem>>, vector<1x32xf32>,
    } else {
    }
    return
  }
  func.func @transform_0(%arg0: i32) -> (i32, i32, i32) {
    %c0_i32 = arith.constant 0 : i32
    %c0_i32_0 = arith.constant 0 : i32
    %c0_i32_1 = arith.constant 0 : i32
    return %c0_i32, %arg0, %c0_i32_0 : i32, i32, i32
  }
  func.func @transform_1(%arg0: i32) -> (i32, i32) {
    %c0_i32 = arith.constant 0 : i32
    %c0_i32_0 = arith.constant 0 : i32
    return %arg0, %c0_i32 : i32, i32
  }
  func.func @transform_2(%arg0: i32) -> (i32, i32) {
    %c0_i32 = arith.constant 0 : i32
    %c0_i32_0 = arith.constant 0 : i32
    %c0_i32_1 = arith.constant 0 : i32
    return %c0_i32, %c0_i32_0 : i32, i32
  }
  func.func @transform_3(%arg0: i32) -> (i32, i32) {
    %c0_i32 = arith.constant 0 : i32
    %c0_i32_0 = arith.constant 0 : i32
    %c0_i32_1 = arith.constant 0 : i32
    return %c0_i32, %c0_i32_0 : i32, i32
  }
  func.func @transform_4(%arg0: i32) -> (i32, i32) {
    %c0_i32 = arith.constant 0 : i32
    %c0_i32_0 = arith.constant 0 : i32
    %c0_i32_1 = arith.constant 0 : i32
    return %c0_i32, %c0_i32_0 : i32, i32
  }
  func.func @transform_5(%arg0: i32) -> (i32, i32) {
    %c0_i32 = arith.constant 0 : i32
    %c0_i32_0 = arith.constant 0 : i32
    %c0_i32_1 = arith.constant 0 : i32
    return %c0_i32, %c0_i32_0 : i32, i32
  }
  func.func @transform_6(%arg0: i32) -> (i32, i32) {
    %c0_i32 = arith.constant 0 : i32
    %c0_i32_0 = arith.constant 0 : i32
    %c0_i32_1 = arith.constant 0 : i32
    return %c0_i32, %c0_i32_0 : i32, i32
  }
  func.func @transform_7(%arg0: i32) -> (i32, i32) {
    %c0_i32 = arith.constant 0 : i32
    %c0_i32_0 = arith.constant 0 : i32
    %c0_i32_1 = arith.constant 0 : i32
    return %c0_i32, %c0_i32_0 : i32, i32
  }
  func.func @transform_8(%arg0: i32) -> (i32, i32) {
    %c0_i32 = arith.constant 0 : i32
    %c0_i32_0 = arith.constant 0 : i32
    %c0_i32_1 = arith.constant 0 : i32
    return %c0_i32, %c0_i32_0 : i32, i32
  }
  func.func @transform_9(%arg0: i32) -> (i32, i32) {
    %c0_i32 = arith.constant 0 : i32
    %c0_i32_0 = arith.constant 0 : i32
    return %arg0, %c0_i32 : i32, i32
  }
  func.func @transform_10(%arg0: i32) -> (i32, i32) {
    %c0_i32 = arith.constant 0 : i32
    %c0_i32_0 = arith.constant 0 : i32
    %c0_i32_1 = arith.constant 0 : i32
    return %c0_i32, %c0_i32_0 : i32, i32
  }
}

</mosaic_0001>

<sc_bundles>
// kernel: kernel.6.cloned.1.call-start
scs
__scs_entry_jumppad:
0x0: {  	(pc) =	sbr.rel $0x88, $3  }
0x1: {  	(tag) =	ssettag $0x0;
	lr =	simm.s32 $0x1  }
0x2: {  	[smem:$0x3F97] =	sst lr;
	_ =	strace $0xD0000000  }
0x3: {  	_ = 	snop  }
0x4: {  	_ = 	snop  }
0x5: {  	_ = 	snop  }
0x6: {  	_ = 	snop  }
0x7: {  	_ = 	snop  }
__scs_overlays_trampoline_lowered:
0x8: {  	[smem:$0x3FA6] =	sst s0  }
0x9: {  	[smem:$0x3FA7] =	sst s1  }
0xa: {  	[smem:$0x3FA8] =	sst s2  }
0xb: {  	[smem:$0x3FA9] =	sst s3  }
0xc: {  	[smem:$0x3FAA] =	sst s4  }
0xd: {  	[smem:$0x3FAB] =	sst s5  }
0xe: {  	[smem:$0x3FAC] =	sst s6  }
0xf: {  	[smem:$0x3FAD] =	sst s7  }
0x10: {  	[smem:$0x3FAE] =	sst s8  }
0x11: {  	[smem:$0x3FAF] =	sst s9;
	s0 =	simm.s32 @!p0 $0x0  }
0x12: {  	s1 =	sld [smem:$0x3F95];
	s0 =	simm.s32 @p0 $0x1  }
0x13: {  	[smem:$0x3FB0] =	sst s0;
	s0 =	simm.s32 @!p1 $0x0  }
0x14: {  	s2 =	sld [smem:$0x3F94];
	s0 =	simm.s32 @p1 $0x1  }
0x15: {  	[smem:$0x3FB1] =	sst s0;
	s0 =	simm.s32 @!p2 $0x0  }
0x16: {  	s3 =	sld [smem:$0x3FDB];
	s0 =	simm.s32 @p2 $0x1  }
0x17: {  	s4 =	simm.s32 $0x1BF5;
	[smem:$0x3FB3] =	sst s0  }
0x18: {  	s0 =	sld [smem:$0x3F96];
	_ =	swait.ge [sflag:s4], $0x0  }
0x19: {  	s7 =	sld [smem:$0x3F97]  }
0x1a: {  	s8 =	sadd.s32 $0xFFFFE003, lr  }
0x1b: {  	s9 =	sadd.s32 $0xFFFFFEF7, lr;
	s5 =	simm.s32 $0xFFFFFFFF;
	p2 =	slt.u32 s8, $0xFFFFF086  }
0x1c: {  	p1 =	slt.u32 s9, $0xF7A;
	s5 =	simm.s32 @!p2 $0x0  }
0x1d: {  	s5 =	simm.s32 @p1 $0x1;
	p0 =	seq.s32 s7, s2  }
0x1e: {  	s7 =	smul.u32 @!p0 $0xF7A, s2;
	p2 =	seq.s32 @!p0 s5, $0x0  }
0x1f: {  	s9 =	smul.u32 $0xF7A, s1;
	s8 =	simm.s32 @!p0 $0x1BF5;
	p2 =	por !p2, p0  }
0x20: {  	[sflag:s8] =	ssyncset.s32 @!p0 $0xFFFFF086;
	s6 =	sadd.s32 @!p0 s3, s7;
	s7 =	simm.s32 @!p0 $0x108  }
0x21: {  	s3 =	sadd.s32 s3, s9;
	s6 =	sadd.s32 @!p0 $0x88, s6;
	s7 =	simm.s32 @p2 $0x1082  }
0x22: {  	[simem:s7], [sflag:s8] =	dma.local @!p0 [hbm:s6], $0xF7A  }
0x23: {  	s9 =	sor.u32 $0xD0000000, s2;
	s6 =	simm.s32 $0x108;
	_ =	swait.ge @!p0 [sflag:s8], $0x0  }
0x24: {  	s3 =	sadd.s32 $0x88, s3;
	s6 =	simm.s32 @!p1 $0x1082;
	[sflag:s4] =	ssyncset.s32 $0xFFFFF086  }
0x25: {  	[simem:s6], [sflag:s4] =	dma.local [hbm:s3], $0xF7A  }
0x26: {  	[smem:$0x3F97] =	sst s1;
	(tag) =	ssettag s2;
	_ =	strace s9  }
0x27: {  	s1 =	sld [smem:$0x3FA7]  }
0x28: {  	s2 =	sld [smem:$0x3FA8]  }
0x29: {  	s4 =	sld [smem:$0x3FAA]  }
0x2a: {  	p0 =	seq.s32 s5, $0x0;
	s5 =	sld [smem:$0x3FAB]  }
0x2b: {  	s6 =	sld [smem:$0x3FAC]  }
0x2c: {  	s7 =	sld [smem:$0x3FAD]  }
0x2d: {  	s3 =	simm.s32 $0x108;
	s8 =	sld [smem:$0x3FAE]  }
0x2e: {  	s3 =	simm.s32 @!p0 $0x1082;
	s9 =	sld [smem:$0x3FAF]  }
0x2f: {  	lr =	sadd.s32 s0, s3;
	s0 =	sld [smem:$0x3FA6]  }
0x30: {  	s3 =	sld [smem:$0x3FA9]  }
0x31: {  	[smem:$0x3FB2] =	sst s10  }
0x32: {  	s10 =	sld [smem:$0x3FB0];
	_ =	sdelay $0x3  }
0x33: {  	p0 =	seq.s32 s10, $0x1;
	s10 =	sld [smem:$0x3FB2];
	_ =	sdelay $0x3  }
0x34: {  	[smem:$0x3FB2] =	sst s10  }
0x35: {  	s10 =	sld [smem:$0x3FB1];
	_ =	sdelay $0x3  }
0x36: {  	p1 =	seq.s32 s10, $0x1;
	s10 =	sld [smem:$0x3FB2];
	_ =	sdelay $0x3  }
0x37: {  	[smem:$0x3FB2] =	sst s10  }
0x38: {  	s10 =	sld [smem:$0x3FB3]  }
0x39: {  	_ = 	snop;
	(pc) =	sbr.ind lr, $3  }
0x3a: {  	_ = 	snop  }
0x3b: {  	_ = 	snop  }
0x3c: {  	p2 =	seq.s32 s10, $0x1;
	s10 =	sld [smem:$0x3FB2]  }
0x3d: {  	_ =	shalt  }
0x3e: {  	_ =	shalt  }
0x3f: {  	_ =	shalt  }
0x40: {  	_ =	shalt  }
0x41: {  	_ =	shalt  }
0x42: {  	_ =	shalt  }
0x43: {  	_ =	shalt  }
0x44: {  	_ =	shalt  }
0x45: {  	_ =	shalt  }
0x46: {  	_ =	shalt  }
0x47: {  	_ =	shalt  }
0x48: {  	_ =	shalt  }
0x49: {  	_ =	shalt  }
0x4a: {  	_ =	shalt  }
0x4b: {  	_ =	shalt  }
0x4c: {  	_ =	shalt  }
0x4d: {  	_ =	shalt  }
0x4e: {  	_ =	shalt  }
0x4f: {  	_ =	shalt  }
0x50: {  	_ =	shalt  }
0x51: {  	_ =	shalt  }
0x52: {  	_ =	shalt  }
0x53: {  	_ =	shalt  }
0x54: {  	_ =	shalt  }
0x55: {  	_ =	shalt  }
0x56: {  	_ =	shalt  }
0x57: {  	_ =	shalt  }
0x58: {  	_ =	shalt  }
0x59: {  	_ =	shalt  }
0x5a: {  	_ =	shalt  }
0x5b: {  	_ =	shalt  }
0x5c: {  	_ =	shalt  }
0x5d: {  	_ =	shalt  }
0x5e: {  	_ =	shalt  }
0x5f: {  	_ =	shalt  }
0x60: {  	_ =	shalt  }
0x61: {  	_ =	shalt  }
0x62: {  	_ =	shalt  }
0x63: {  	_ =	shalt  }
0x64: {  	_ =	shalt  }
0x65: {  	_ =	shalt  }
0x66: {  	_ =	shalt  }
0x67: {  	_ =	shalt  }
0x68: {  	_ =	shalt  }
0x69: {  	_ =	shalt  }
0x6a: {  	_ =	shalt  }
0x6b: {  	_ =	shalt  }
0x6c: {  	_ =	shalt  }
0x6d: {  	_ =	shalt  }
0x6e: {  	_ =	shalt  }
0x6f: {  	_ =	shalt  }
0x70: {  	_ =	shalt  }
0x71: {  	_ =	shalt  }
0x72: {  	_ =	shalt  }
0x73: {  	_ =	shalt  }
0x74: {  	_ =	shalt  }
0x75: {  	_ =	shalt  }
0x76: {  	_ =	shalt  }
0x77: {  	_ =	shalt  }
0x78: {  	_ =	shalt  }
0x79: {  	_ =	shalt  }
0x7a: {  	_ =	shalt  }
0x7b: {  	_ =	shalt  }
0x7c: {  	_ =	shalt  }
0x7d: {  	_ =	shalt  }
0x7e: {  	_ =	shalt  }
0x7f: {  	_ =	shalt  }
0x80: {  	_ =	shalt  }
0x81: {  	_ =	shalt  }
0x82: {  	_ =	shalt  }
0x83: {  	_ =	shalt  }
0x84: {  	_ =	shalt  }
0x85: {  	_ =	shalt  }
0x86: {  	_ =	shalt  }
0x87: {  	_ =	shalt  }
.Lfunc_end0:
.L_simem_size_0:
called_computation_lowered:
.L_overlay_start_0:
0x88: {  	s2 =	sld [smem:$0x3FD9]  }
0x89: {  	s3 =	sld [smem:$0x3FFE];
	_ =	sdelay $0x1  }
0x8a: {  	s1 =	srdreg.scid  }
0x8b: {  	s0 =	sand.u32 $0x1, s1  }
0x8c: {  	s14 =	sshll.u32 s0, $0xA;
	s2 =	sadd.s32 s3, s2  }
0x8d: {  	s2 =	sadd.s32 s2, s14  }
0x8e: {  	[smem:$0x3FBE] =	sst s2  }
0x8f: {  	_ = 	snop  }
0x90: {  	s2 =	sld [smem:$0x3FD0];
	_ =	sdelay $0x2  }
0x91: {  	s15 =	simm.s32 $0xA;
	s4 =	simm.s32 $0x10  }
0x92: {  	[smem:s4], [sflag:s15] =	dma.local [hbm:s2], $0x1  }
0x93: {  	_ =	swait.eq [sflag:s15], $0x1  }
0x94: {  	[sflag:s15] =	ssyncset.done $0x0  }
0x95: {  	[sflag:s15] =	ssyncadd.s32 $0xFFFFFFFF  }
0x96: {  	s16 =	sld [smem:$0x11];
	(tm) =	ssettm $0x1  }
0x97: {  	s17 =	sld [smem:$0x3FFB];
	_ =	sdelay $0x3  }
0x98: {  	_ =	strace s17  }
0x99: {  	s3 =	sld [smem:$0x3FFC];
	_ =	sdelay $0x3  }
0x9a: {  	_ =	strace s3  }
0x9b: {  	s3 =	sld [smem:$0x3FFD];
	_ =	sdelay $0x3  }
0x9c: {  	_ =	strace s3  }
0x9d: {  	_ =	strace $0x8FFFFFFF  }
0x9e: {  	s18 =	sld [smem:$0x3FDB];
	_ =	sdelay $0x1  }
0x9f: {  	s19 =	simm.s32 $_scs_section_size  }
0xa0: {  	s5 =	simm.s32 $_size__tile_overlayer_lowered;
	s6 =	simm.s32 $_tile_overlayer_lowered  }
0xa1: {  	s22 =	simm.s32 $0x1BFF;
	s21 =	sshll.u32 s6, $0x1;
	s3 =	sadd.s32 s19, s18  }
0xa2: {  	s7 =	simm.s32 $0x0;
	s20 =	sshll.u32 s5, $0x1;
	s5 =	sadd.s32 s21, s3  }
0xa3: {  	[timem:s7], [sflag:s22] =	dma.local [hbm:s5], s20  }
0xa4: {  	_ =	swait.ge [sflag:s22], s20  }
0xa5: {  	s4 =	ssub.s32 $0x0, s20;
	[sflag:s22] =	ssyncset.done $0x0  }
0xa6: {  	[sflag:s22] =	ssyncadd.s32 s4;
	_ =	sdelay $0x1  }
0xa7: {  	s23 =	simm.s32 $0x1B8B  }
0xa8: {  	_ =	swait.ge [sflag:s23], $0x1  }
0xa9: {  	[sflag:s23] =	ssyncset.done $0x0  }
0xaa: {  	s25 =	simm.s32 $0x1B8E;
	s24 =	sld [smem:$0x3FFE];
	[sflag:s23] =	ssyncadd.s32 $0xFFFFFFFF  }
0xab: {  	s26 =	simm.s32 $execute0_lowered;
	[smem:$0x3FD2] =	sst s25  }
0xac: {  	s5 =	sshll.u32 s26, $0x1;
	_ =	strace $0x80000046;
	[dreg:$0x1] =	wrdreg $0xFFFFFFFF  }
0xad: {  	s28 =	simm.s32 $_size_execute0_lowered;
	s3 =	sadd.s32 s3, s5;
	[dreg:$0x0] =	wrdreg $0x0  }
0xae: {  	s5 =	sshll.u32 s28, $0x1;
	[dreg:$0x2] =	wrdreg s3  }
0xaf: {  	[dreg:$0x3] =	wrdreg s5  }
0xb0: {  	[dreg:$0x4] =	wrdreg $0xC0  }
0xb1: {  	_ =	task [dreg:s7], $0x5FFFF  }
0xb2: {  	[dreg:$0x1] =	wrdreg $0xFFFFFFFF  }
0xb3: {  	[dreg:$0x0] =	wrdreg $0x60  }
0xb4: {  	[dreg:$0x2] =	wrdreg s24  }
0xb5: {  	[dreg:$0x3] =	wrdreg s16  }
0xb6: {  	[dreg:$0x4] =	wrdreg $0x13E200  }
0xb7: {  	[dreg:$0x5] =	wrdreg $0x9  }
0xb8: {  	_ =	task.clear_ibuf [dreg:s7], $0x6FFFF;
	_ =	strace $0x90000046  }
0xb9: {  	s29 =	simm.s32 $0x9;
	_ =	strace $0x80000048  }
0xba: {  	_ =	swait.ge [sflag:s29], $0x1  }
0xbb: {  	[sflag:s29] =	ssyncadd.s32 $0xFFFFFFFF  }
0xbc: {  	_ =	strace $0x90000048  }
0xbd: {  	_ =	sfence  }
0xbe: {  	s30 =	sld [smem:$0x0];
	_ =	sdelay $0x2  }
0xbf: {  	s31 =	sshll.u32 s1, $0xD;
	s1 =	sshrl.u32 s1, $0x2  }
0xc0: {  	s3 =	sand.u32 $0x4000, s31;
	s1 =	sadd.s32 s1, s30  }
0xc1: {  	s0 =	sor.u32 s3, s0;
	s1 =	sshll.u32 s1, $0x11  }
0xc2: {  	s0 =	sor.u32 s1, s0  }
0xc3: {  	s0 =	sadd.s32 $0x8F2B, s0  }
0xc4: {  	[sflag:s0] =	ssyncadd.remote.s32 $0x1  }
0xc5: {  	_ =	sfence.sel $0xFFFF  }
0xc6: {  	[dreg:$0x0] =	wrdreg $0xFFFFFFFF;
	(pc) =	sbr.abs _section_cstart, $3  }
0xc7: {  	[dreg:$0x1] =	wrdreg $0xFFFFFFFF  }
0xc8: {  	_ =	task.clear_ibuf [dreg:s7], $0x2FFFF;
	_ =	strace $0x9FFFFFFF  }
0xc9: {  	(tm) =	ssettm $0x7FFFFFFF  }
tec
execute0_lowered:
.L_overlay_start_1:
0x0: {  	(tag) =	ssettag $0x1  }
0x1: {  	s0 =	srdreg.scid  }
0x2: {  	s6 =	stileid.u32;
	s1 =	rddreg [dreg:$0x0]  }
0x3: {  	s2 =	rddreg [dreg:$0x1];
	s5 =	simm.s32 $0x0;
	s17 =	simm.s32 $0x9  }
0x4: {  	s19 =	simm.s32 $0x190;
	s23 =	simm.s32 $0x1;
	s28 =	simm.s32 $0xA  }
0x5: {  	s29 =	simm.s32 $0x2;
	s30 =	simm.s32 $0x4;
	s31 =	simm.s32 $0x6  }
0x6: {  	s16 =	simm.s32 $0x7;
	s20 =	simm.s32 $0x8;
	s21 =	simm.s32 $0x0  }
0x7: {  	s0 =	sand.u32 $0x1, s0;
	s3 =	sshll.u32 s6, $0x1;
	s10 =	smul.u32 $0x2800, s6  }
0x8: {  	[smem:$0x7FF] =	sst s5;
	s9 =	sor.u32 s0, s3;
	s8 =	smul.u32 $0x28000, s0  }
0x9: {  	s6 =	sadd.s32 $0x8400, s1;
	s7 =	sadd.s32 $0x3400, s1;
	s4 =	smul.u32 $0x2710, s9  }
0xa: {  	s3 =	rddreg [dreg:$0x2];
	s0 =	ssub.s32 $0x2, s0;
	s13 =	smul.u32 $0x4E20, s9  }
0xb: {  	_ =	strace $0x80000047;
	s24 =	sshrl.u32 s0, $0x1;
	s9 =	smul.u32 $0x4E2, s9  }
0xc: {  	s12 =	sadd.s32 s10, s8;
	s8 =	sadd.s32 $0x2AE00, s1;
	s0 =	ssub.s32 s0, s24  }
0xd: {  	s10 =	sadd.s32 s10, s3;
	s24 =	simm.s32 $0x3;
	s11 =	sshrl.u32 s4, $0x3  }
.Ltmp0:
0xe: {  	s12 =	sshrl.u32 s12, $0x3;
	s26 =	sadd.s32 s2, s13;
	(pc) =	sbr.rel .LBB2_1-.Ltmp0, $4  }
0xf: {  	s15 =	smax.u32 s0, $0x1;
	s11 =	sadd.s32 s11, s1;
	s1 =	sadd.s32 s12, s1  }
0x10: {  	[dreg:$0x6] =	wrdreg s26;
	s26 =	simm.s32 $0xE420;
	s25 =	sadd.s32 $0xD400, s11  }
0x11: {  	s11 =	sadd.s32 $0x17040, s11;
	s14 =	sadd.s32 $0x20E00, s1;
	[dreg:$0x4] =	wrdreg s25  }
0x12: {  	v0 =	vimm.f32 $0.0e+00;
	s1 =	simm.s32 $0xFD20;
	[dreg:$0x5] =	wrdreg s11;
	s25 =	simm.s32 $0x5  }
.LBB2_11:
0x13: {  	_ =	swait.ge [sflag:s16], $0x1900  }
0x14: {  	[sflag:s16] =	ssyncset.done $0x0  }
0x15: {  	[sflag:s16] =	ssyncadd.s32 $0xFFFFE700  }
0x16: {  	s0 =	stileid.u32;
	_ =	swait.ge [sflag:s20], $0x1900  }
0x17: {  	s11 =	sshrl.u32 s10, $0x3;
	s21 =	sadd.s32 $0x1, s21;
	[sflag:s20] =	ssyncset.done $0x0  }
0x18: {  	s0 =	sshll.u32 s0, $0x6;
	p0 =	sne.s32 s21, s15;
	[sflag:s20] =	ssyncadd.s32 $0xFFFFE700  }
.Ltmp1:
0x19: {  	s0 =	sor.u32 $0x1C09, s0;
	[bflag:$0x0] =	sbarrier.arrive $0xFFFF;
	(pc) =	sbr.rel @!p0 .LBB2_12-.Ltmp1, $4  }
0x1a: {  	[hbm:s14], [sflag:s0] =	dma.local [spmem:s11], $0x500  }
0x1b: {  	_ =	swait.ge [sflag:s17], $0x500  }
0x1c: {  	[sflag:s17] =	ssyncset.done $0x0  }
0x1d: {  	[sflag:s17] =	ssyncadd.s32 $0xFFFFFB00  }
.LBB2_1:
0x1e: {  	s0 =	simm.s32 $0x11660  }
0x1f: {  	[tilespmem:s0+$0xFFFFFFC0] =	vst v0  }
0x20: {  	[tilespmem:s0+$0x30] =	vst v0  }
0x21: {  	[tilespmem:s0+$0x20] =	vst v0  }
0x22: {  	[tilespmem:s0+$0x10] =	vst v0  }
0x23: {  	[tilespmem:s0+$0x0] =	vst v0  }
0x24: {  	[tilespmem:s0+$0xFFFFFFF0] =	vst v0  }
0x25: {  	s11 =	simm.s32 $0x0;
	[tilespmem:s0+$0xFFFFFFE0] =	vst v0  }
.LBB2_2:
0x26: {  	s11 =	sadd.s32 $0x8, s11;
	[tilespmem:s0+$0xFFFFFFD0] =	vst v0;
	s0 =	sadd.s32 $0x80, s0  }
0x27: {  	[tilespmem:s0+$0xFFFFFFC0] =	vst v0;
	p0 =	slt.u32 s11, $0x278  }
0x28: {  	[tilespmem:s0+$0x30] =	vst v0  }
.Ltmp2:
0x29: {  	[tilespmem:s0+$0x20] =	vst v0;
	(pc) =	sbr.rel @p0 .LBB2_2-.Ltmp2, $4  }
0x2a: {  	[tilespmem:s0+$0x10] =	vst v0  }
0x2b: {  	[tilespmem:s0+$0x0] =	vst v0  }
0x2c: {  	[tilespmem:s0+$0xFFFFFFF0] =	vst v0  }
0x2d: {  	[tilespmem:s0+$0xFFFFFFE0] =	vst v0  }
0x2e: {  	[tilespmem:s0+$0xFFFFFFD0] =	vst v0;
	s11 =	simm.s32 $0x11620  }
0x2f: {  	[spmem:s10] =	stream.linear.scatter [tilespmem:s11], [sflag:$0x9], $0x2800, $0x38;
	[tilespmem:$0x16620] =	vst v63  }
0x30: {  	_ =	swait.ge [sflag:s17], $0x2800  }
0x31: {  	[sflag:s17] =	ssyncset.done $0x0  }
0x32: {  	s22 =	simm.s32 $0x0;
	s12 =	rddreg [dreg:$0x4];
	[sflag:s17] =	ssyncadd.s32 $0xFFFFD800  }
0x33: {  	[tilespmem:s22], [sflag:$0x9] =	stream.linear.gather [hbm4b:s12+s22], $0x2710, $0x38;
	[tilespmem:$0x16620] =	vst v63  }
0x34: {  	_ =	swait.ge [sflag:s17], $0x2710  }
0x35: {  	[sflag:s17] =	ssyncset.done $0x0  }
0x36: {  	s11 =	simm.s32 $0x2710;
	s13 =	rddreg [dreg:$0x5];
	[sflag:s17] =	ssyncadd.s32 $0xFFFFD8F0  }
0x37: {  	[tilespmem:s11], [sflag:$0x9] =	stream.linear.gather [hbm4b:s13+s22], $0x2710, $0x38;
	[tilespmem:$0x16620] =	vst v63  }
0x38: {  	_ =	swait.ge [sflag:s17], $0x2710  }
0x39: {  	[sflag:s17] =	ssyncset.done $0x0  }
0x3a: {  	s18 =	simm.s32 $0x4E20;
	[sflag:s17] =	ssyncadd.s32 $0xFFFFD8F0  }
0x3b: {  	[tilespmem:s18], [sflag:$0x1] =	stream.indirect.gather [hbm4b:s6+s19], $0x10, s22, s19, $0xb8;
	[tilespmem:$0x16620] =	vst v63  }
0x3c: {  	s12 =	simm.s32 $0x8020  }
0x3d: {  	[tilespmem:s12], [sflag:$0x3] =	stream.indirect.gather [hbm4b:s7+s19], $0x10, s11, s19, $0xb8;
	[tilespmem:$0x16620] =	vst v63  }
.Ltmp3:
0x3e: {  	_ = 	snop;
	(pc) =	sbr.rel .LBB2_4-.Ltmp3, $3  }
0x3f: {  	s13 =	rddreg [dreg:$0x6];
	s18 =	simm.s32 $0xB220  }
0x40: {  	[tilespmem:s18], [sflag:$0x5] =	stream.linear.gather [hbm4b:s13+s22], $0x1900, $0x38;
	[tilespmem:$0x16620] =	vst v63  }
0x41: {  	[bflag:$0x0] =	sbarrier.arrive $0xFFFF;
	_ =	sdelay $0x1  }
.LBB2_10:
0x42: {  	s22 =	sadd.s32 $0x1, s22  }
0x43: {  	p0 =	sne.s32 s22, $0xD  }
.Ltmp4:
0x44: {  	_ = 	snop;
	(pc) =	sbr.rel @!p0 .LBB2_11-.Ltmp4, $1  }
0x45: {  	_ =	sdelay $0x3  }
.LBB2_4:
0x46: {  	s0 =	sshllo.u32 s22, $0x1  }
0x47: {  	p0 =	sgt.u32 s0, $0x18  }
0x48: {  	s11 =	smul.u32 @!p0 $0x190, s0  }
0x49: {  	s12 =	simm.s32 @!p0 $0x190;
	s13 =	simm.s32 @!p0 $0x6720  }
0x4a: {  	[tilespmem:s13], [sflag:$0x2] =	stream.indirect.gather @!p0 [hbm4b:s6+s12], $0x10, s11, s12, $0xb8;
	[tilespmem:$0x16620] =	vst v63  }
0x4b: {  	s18 =	smul.u32 @!p0 $0x32, s0;
	s11 =	sadd.s32 @!p0 $0x2710, s11;
	s13 =	simm.s32 @!p0 $0x9920  }
0x4c: {  	[tilespmem:s13], [sflag:$0x4] =	stream.indirect.gather @!p0 [hbm4b:s7+s12], $0x10, s11, s12, $0xb8;
	[tilespmem:$0x16620] =	vst v63  }
0x4d: {  	s11 =	sadd.s32 @!p0 s9, s18  }
0x4e: {  	s11 =	sshll.u32 @!p0 s11, $0x4  }
0x4f: {  	p1 =	seq.s32 s22, $0x0;
	s11 =	sand.u32 @!p0 $0x1FFFFFE0, s11  }
0x50: {  	s12 =	simm.s32 @!p0 $0x0;
	s13 =	simm.s32 @!p0 $0xCB20;
	s11 =	sadd.s32 @!p0 s2, s11  }
0x51: {  	[tilespmem:s13], [sflag:$0x6] =	stream.linear.gather @!p0 [hbm4b:s11+s12], $0x1900, $0x38;
	[tilespmem:$0x16620] =	vst v63  }
0x52: {  	s11 =	simm.s32 @!p1 $0x7  }
0x53: {  	_ =	swait.ge @!p1 [sflag:s11], $0x1900  }
0x54: {  	[sflag:s11] =	ssyncset.done @!p1 $0x0  }
0x55: {  	[sflag:s11] =	ssyncadd.s32 @!p1 $0xFFFFE700  }
0x56: {  	_ =	swait.ge [sflag:s23], $0x1900  }
0x57: {  	[sflag:s23] =	ssyncset.done $0x0  }
0x58: {  	[sflag:s23] =	ssyncadd.s32 $0xFFFFE700  }
0x59: {  	_ =	swait.ge [sflag:s24], $0x1900  }
0x5a: {  	[sflag:s24] =	ssyncset.done $0x0  }
0x5b: {  	[sflag:s24] =	ssyncadd.s32 $0xFFFFE700  }
0x5c: {  	_ =	swait.ge [sflag:s25], $0x1900  }
0x5d: {  	[sflag:s25] =	ssyncset.done $0x0  }
0x5e: {  	s11 =	simm.s32 $0x0;
	[sflag:s25] =	ssyncadd.s32 $0xFFFFE700  }
0x5f: {  	v1 =	vld [tilespmem:s11+$0x4E90]  }
0x60: {  	v2 =	vld [tilespmem:s11+$0x8090]  }
0x61: {  	v3 =	vld [tilespmem:s11+$0x4E20]  }
0x62: {  	v4 =	vld [tilespmem:s11+$0xB290]  }
0x63: {  	v5 =	vld [tilespmem:s11+$0x8020]  }
0x64: {  	v6 =	vld [tilespmem:s11+$0x4E30]  }
0x65: {  	v7 =	vld [tilespmem:s11+$0x8030]  }
0x66: {  	v8 =	vld [tilespmem:s11+$0x8040]  }
0x67: {  	v10 =	vld [tilespmem:s11+$0x8050]  }
0x68: {  	v11 =	vld [tilespmem:s11+$0x4E60]  }
0x69: {  	v12 =	vld [tilespmem:s11+$0x4E70]  }
0x6a: {  	v13 =	vld [tilespmem:s11+$0x8070]  }
0x6b: {  	v14 =	vld [tilespmem:s11+$0x4E80];
	v1 =	vadd.f32 v2, v1  }
0x6c: {  	v15 =	vld [tilespmem:s11+$0x8080]  }
0x6d: {  	v16 =	vld [tilespmem:s11+$0xB220];
	v1 =	vadd.f32 v4, v1  }
0x6e: {  	v2 =	vld [tilespmem:s11+$0x4E40]  }
0x6f: {  	v4 =	vld [tilespmem:s11+$0x4E50];
	v1 =	vmax.f32 v1, $0.0e+00  }
0x70: {  	[tilespmem:s11+$0xE490] =	vst v1;
	v1 =	vld [tilespmem:s11+$0x8060]  }
0x71: {  	v17 =	vld [tilespmem:s11+$0xB230]  }
0x72: {  	v18 =	vld [tilespmem:s11+$0xB240]  }
0x73: {  	v9 =	vld [tilespmem:s11+$0xB250];
	v3 =	vadd.f32 v5, v3;
	v19 =	vadd.f32 v7, v6  }
0x74: {  	v20 =	vadd.f32 v8, v2;
	v8 =	vld [tilespmem:s11+$0xB260];
	v5 =	vadd.f32 v10, v4  }
0x75: {  	v7 =	vld [tilespmem:s11+$0xB270];
	v4 =	vadd.f32 v1, v11;
	v11 =	vadd.f32 v16, v3  }
0x76: {  	s12 =	simm.s32 $0x80;
	v6 =	vld [tilespmem:s11+$0xB280];
	v10 =	vadd.f32 v17, v19;
	v3 =	vadd.f32 v13, v12  }
0x77: {  	s18 =	sshll.u32 s22, $0x1;
	s13 =	simm.s32 $0x400;
	v2 =	vld [tilespmem:s12+$0x4E90];
	v1 =	vadd.f32 v15, v14;
	v12 =	vmax.f32 v11, $0.0e+00;
	v11 =	vadd.f32 v18, v20  }
.LBB2_5:
0x78: {  	p2 =	sne.s32 s13, $0x6200;
	v13 =	vld [tilespmem:s12+$0x8090];
	[tilespmem:s11+$0xE420] =	vst v12;
	v10 =	vmax.f32 v10, $0.0e+00;
	v5 =	vadd.f32 v9, v5  }
0x79: {  	v9 =	vld [tilespmem:s12+$0x4E20];
	[tilespmem:s11+$0xE430] =	vst v10;
	v10 =	vmax.f32 v11, $0.0e+00;
	v4 =	vadd.f32 v8, v4  }
0x7a: {  	v8 =	vld [tilespmem:s12+$0xB290];
	[tilespmem:s11+$0xE440] =	vst v10;
	v5 =	vmax.f32 v5, $0.0e+00;
	v3 =	vadd.f32 v7, v3  }
0x7b: {  	v7 =	vld [tilespmem:s12+$0x8020];
	[tilespmem:s11+$0xE450] =	vst v5;
	v4 =	vmax.f32 v4, $0.0e+00;
	v1 =	vadd.f32 v6, v1  }
0x7c: {  	v5 =	vld [tilespmem:s12+$0x4E30];
	[tilespmem:s11+$0xE460] =	vst v4;
	v3 =	vmax.f32 v3, $0.0e+00  }
0x7d: {  	v4 =	vld [tilespmem:s12+$0x8030];
	v2 =	vadd.f32 v13, v2;
	[tilespmem:s11+$0xE470] =	vst v3;
	v1 =	vmax.f32 v1, $0.0e+00  }
0x7e: {  	v3 =	vld [tilespmem:s12+$0x4E40];
	[tilespmem:s11+$0xE480] =	vst v1;
	s11 =	smov.u32 s12  }
0x7f: {  	v1 =	vld [tilespmem:s11+$0x8040];
	v2 =	vadd.f32 v8, v2  }
0x80: {  	v6 =	vadd.f32 v7, v9;
	v7 =	vld [tilespmem:s11+$0x4E50]  }
0x81: {  	v8 =	vld [tilespmem:s11+$0x8050];
	v2 =	vmax.f32 v2, $0.0e+00  }
0x82: {  	v10 =	vadd.f32 v4, v5;
	v4 =	vld [tilespmem:s11+$0x4E60];
	[tilespmem:s11+$0xE490] =	vst v2  }
0x83: {  	v2 =	vld [tilespmem:s11+$0x8060]  }
0x84: {  	v11 =	vadd.f32 v1, v3;
	v1 =	vld [tilespmem:s11+$0x4E70]  }
0x85: {  	v3 =	vld [tilespmem:s11+$0x8070]  }
0x86: {  	v5 =	vadd.f32 v8, v7;
	v7 =	vld [tilespmem:s11+$0x4E80]  }
0x87: {  	v12 =	vld [tilespmem:s11+$0x8080]  }
0x88: {  	v13 =	vld [tilespmem:s11+$0xB220];
	v4 =	vadd.f32 v2, v4  }
0x89: {  	v2 =	vld [tilespmem:s11+$0xB230]  }
0x8a: {  	v14 =	vld [tilespmem:s11+$0xB240];
	v3 =	vadd.f32 v3, v1  }
.Ltmp5:
0x8b: {  	v9 =	vld [tilespmem:s11+$0xB250];
	(pc) =	sbr.rel @p2 .LBB2_5-.Ltmp5, $4  }
0x8c: {  	v8 =	vld [tilespmem:s11+$0xB260];
	v1 =	vadd.f32 v12, v7  }
0x8d: {  	v12 =	vadd.f32 v13, v6;
	v7 =	vld [tilespmem:s11+$0xB270]  }
0x8e: {  	s12 =	sshra.s32 s13, $0x2;
	v10 =	vadd.f32 v2, v10;
	v6 =	vld [tilespmem:s11+$0xB280]  }
0x8f: {  	s13 =	sadd.s32 $0x200, s13;
	v2 =	vld [tilespmem:s12+$0x4E90];
	v12 =	vmax.f32 v12, $0.0e+00;
	v11 =	vadd.f32 v14, v11  }
0x90: {  	v13 =	vld [tilespmem:s12+$0x8090];
	[tilespmem:s11+$0xE420] =	vst v12;
	v10 =	vmax.f32 v10, $0.0e+00;
	v5 =	vadd.f32 v9, v5  }
0x91: {  	v12 =	vld [tilespmem:s12+$0x4E20];
	[tilespmem:s11+$0xE430] =	vst v10;
	v50 =	vmax.f32 v11, $0.0e+00;
	v4 =	vadd.f32 v8, v4  }
0x92: {  	v10 =	vld [tilespmem:s12+$0xB290];
	[tilespmem:s11+$0xE440] =	vst v50;
	v5 =	vmax.f32 v5, $0.0e+00;
	v3 =	vadd.f32 v7, v3  }
0x93: {  	v51 =	vld [tilespmem:s12+$0x8020];
	[tilespmem:s11+$0xE450] =	vst v5;
	v4 =	vmax.f32 v4, $0.0e+00;
	v1 =	vadd.f32 v6, v1  }
0x94: {  	v5 =	vld [tilespmem:s12+$0x4E30];
	[tilespmem:s11+$0xE460] =	vst v4;
	v3 =	vmax.f32 v3, $0.0e+00  }
0x95: {  	v4 =	vld [tilespmem:s12+$0x8030];
	[tilespmem:s11+$0xE470] =	vst v3;
	v1 =	vmax.f32 v1, $0.0e+00  }
0x96: {  	v3 =	vld [tilespmem:s12+$0x4E40];
	[tilespmem:s11+$0xE480] =	vst v1  }
0x97: {  	v1 =	vld [tilespmem:s12+$0x8040]  }
0x98: {  	v52 =	vld [tilespmem:s12+$0x4E50]  }
0x99: {  	v53 =	vld [tilespmem:s12+$0x8050]  }
0x9a: {  	v9 =	vld [tilespmem:s12+$0x4E60]  }
0x9b: {  	v54 =	vld [tilespmem:s12+$0x4E70]  }
0x9c: {  	v55 =	vld [tilespmem:s12+$0x8070]  }
0x9d: {  	v2 =	vadd.f32 v13, v2;
	v56 =	vld [tilespmem:s12+$0x4E80]  }
0x9e: {  	v14 =	vld [tilespmem:s12+$0x8080]  }
0x9f: {  	v2 =	vadd.f32 v10, v2;
	v15 =	vld [tilespmem:s12+$0xB220]  }
0xa0: {  	v16 =	vld [tilespmem:s12+$0xB230]  }
0xa1: {  	v17 =	vld [tilespmem:s12+$0xB240];
	v2 =	vmax.f32 v2, $0.0e+00  }
0xa2: {  	[tilespmem:s12+$0xE490] =	vst v2;
	v2 =	vld [tilespmem:s12+$0x8060]  }
0xa3: {  	v57 =	vld [tilespmem:s12+$0xB250];
	v8 =	vadd.f32 v51, v12  }
0xa4: {  	v58 =	vld [tilespmem:s12+$0xB260];
	v4 =	vadd.f32 v4, v5  }
0xa5: {  	v59 =	vld [tilespmem:s12+$0xB270];
	v1 =	vadd.f32 v1, v3;
	v3 =	vadd.f32 v15, v8  }
0xa6: {  	v60 =	vld [tilespmem:s12+$0xB280];
	v6 =	vadd.f32 v53, v52;
	v4 =	vadd.f32 v16, v4  }
0xa7: {  	v1 =	vadd.f32 v17, v1;
	v3 =	vmax.f32 v3, $0.0e+00;
	v2 =	vadd.f32 v2, v9  }
0xa8: {  	v61 =	vadd.f32 v55, v54;
	v62 =	vadd.f32 v57, v6;
	[tilespmem:s12+$0xE420] =	vst v3;
	v3 =	vmax.f32 v4, $0.0e+00  }
0xa9: {  	v63 =	vadd.f32 v14, v56;
	[tilespmem:s12+$0xE430] =	vst v3;
	v1 =	vmax.f32 v1, $0.0e+00;
	v2 =	vadd.f32 v58, v2  }
0xaa: {  	s11 =	smul.u32 $0x320, s22;
	v3 =	vadd.f32 v59, v61;
	[tilespmem:s12+$0xE440] =	vst v1;
	v1 =	vmax.f32 v62, $0.0e+00  }
0xab: {  	[tilespmem:s12+$0xE450] =	vst v1;
	v1 =	vmax.f32 v2, $0.0e+00;
	v2 =	vadd.f32 v60, v63  }
0xac: {  	s13 =	sadd.s32 s4, s11;
	[tilespmem:s12+$0xE460] =	vst v1;
	v1 =	vmax.f32 v3, $0.0e+00  }
0xad: {  	s13 =	sshll.u32 s13, $0x1;
	[tilespmem:s12+$0xE470] =	vst v1;
	v1 =	vmax.f32 v2, $0.0e+00  }
0xae: {  	s13 =	sadd.s32 s8, s13;
	[tilespmem:s12+$0xE480] =	vst v1  }
0xaf: {  	[hbm4b:s13+s5] =	stream.linear.scatter [tilespmem:s26], [sflag:$0x7], $0x1900, $0x38;
	[tilespmem:$0x16620] =	vst v63  }
0xb0: {  	p2 =	seq.s32 s22, $0xC;
	s11 =	sadd.s32 $0x2710, s11  }
0xb1: {  	[spmem:s3] =	stream.indirect.scatter.add.f32 [tilespmem:s26], [sflag:$0xA], $0x10, s11, s19, $0xb8;
	[tilespmem:$0x16620] =	vst v63  }
0xb2: {  	s11 =	sadd.s32 @!p2 $0x2, s18  }
0xb3: {  	s12 =	smul.u32 @!p2 $0x190, s11  }
0xb4: {  	_ =	swait.ge [sflag:s28], $0x1900;
	s11 =	smul.u32 @!p2 $0x32, s11  }
0xb5: {  	s13 =	simm.s32 @!p2 $0x190;
	[sflag:s28] =	ssyncset.done $0x0  }
0xb6: {  	s18 =	simm.s32 @!p2 $0x4E20;
	[sflag:s28] =	ssyncadd.s32 $0xFFFFE700;
	s11 =	sadd.s32 @!p2 s9, s11  }
0xb7: {  	[tilespmem:s18], [sflag:$0x1] =	stream.indirect.gather @!p2 [hbm4b:s6+s13], $0x10, s12, s13, $0xb8;
	[tilespmem:$0x16620] =	vst v63  }
.Ltmp6:
0xb8: {  	s11 =	sshll.u32 @!p2 s11, $0x4;
	(pc) =	sbr.rel @p0 .LBB2_10-.Ltmp6, $4  }
0xb9: {  	s12 =	sadd.s32 @!p2 $0x2710, s12;
	s18 =	simm.s32 @!p2 $0x8020;
	s11 =	sand.u32 @!p2 $0x1FFFFFE0, s11  }
0xba: {  	[tilespmem:s18], [sflag:$0x3] =	stream.indirect.gather @!p2 [hbm4b:s7+s13], $0x10, s12, s13, $0xb8;
	[tilespmem:$0x16620] =	vst v63  }
0xbb: {  	s11 =	sadd.s32 @!p2 s2, s11;
	s12 =	simm.s32 @!p2 $0x0;
	s13 =	simm.s32 @!p2 $0xB220  }
0xbc: {  	[tilespmem:s13], [sflag:$0x5] =	stream.linear.gather @!p2 [hbm4b:s11+s12], $0x1900, $0x38;
	[tilespmem:$0x16620] =	vst v63  }
0xbd: {  	s11 =	simm.s32 @!p1 $0x8  }
0xbe: {  	_ =	swait.ge @!p1 [sflag:s11], $0x1900  }
0xbf: {  	[sflag:s11] =	ssyncset.done @!p1 $0x0  }
0xc0: {  	[sflag:s11] =	ssyncadd.s32 @!p1 $0xFFFFE700  }
0xc1: {  	_ =	swait.ge [sflag:s29], $0x1900  }
0xc2: {  	[sflag:s29] =	ssyncset.done $0x0  }
0xc3: {  	[sflag:s29] =	ssyncadd.s32 $0xFFFFE700  }
0xc4: {  	_ =	swait.ge [sflag:s30], $0x1900  }
0xc5: {  	[sflag:s30] =	ssyncset.done $0x0  }
0xc6: {  	[sflag:s30] =	ssyncadd.s32 $0xFFFFE700  }
0xc7: {  	_ =	swait.ge [sflag:s31], $0x1900  }
0xc8: {  	[sflag:s31] =	ssyncset.done $0x0  }
0xc9: {  	s11 =	simm.s32 $0x0;
	[sflag:s31] =	ssyncadd.s32 $0xFFFFE700  }
0xca: {  	v1 =	vld [tilespmem:s11+$0x6790]  }
0xcb: {  	v2 =	vld [tilespmem:s11+$0x9990]  }
0xcc: {  	v3 =	vld [tilespmem:s11+$0x6720]  }
0xcd: {  	v4 =	vld [tilespmem:s11+$0xCB90]  }
0xce: {  	v5 =	vld [tilespmem:s11+$0x9920]  }
0xcf: {  	v6 =	vld [tilespmem:s11+$0x6730]  }
0xd0: {  	v7 =	vld [tilespmem:s11+$0x9930]  }
0xd1: {  	v8 =	vld [tilespmem:s11+$0x9940]  }
0xd2: {  	v10 =	vld [tilespmem:s11+$0x9950]  }
0xd3: {  	v11 =	vld [tilespmem:s11+$0x6760]  }
0xd4: {  	v12 =	vld [tilespmem:s11+$0x6770]  }
0xd5: {  	v13 =	vld [tilespmem:s11+$0x9970]  }
0xd6: {  	v14 =	vld [tilespmem:s11+$0x6780];
	v1 =	vadd.f32 v2, v1  }
0xd7: {  	v15 =	vld [tilespmem:s11+$0x9980]  }
0xd8: {  	v16 =	vld [tilespmem:s11+$0xCB20];
	v1 =	vadd.f32 v4, v1  }
0xd9: {  	v2 =	vld [tilespmem:s11+$0x6740]  }
0xda: {  	v4 =	vld [tilespmem:s11+$0x6750];
	v1 =	vmax.f32 v1, $0.0e+00  }
0xdb: {  	[tilespmem:s11+$0xFD90] =	vst v1;
	v1 =	vld [tilespmem:s11+$0x9960]  }
0xdc: {  	v17 =	vld [tilespmem:s11+$0xCB30]  }
0xdd: {  	v18 =	vld [tilespmem:s11+$0xCB40]  }
0xde: {  	v9 =	vld [tilespmem:s11+$0xCB50];
	v3 =	vadd.f32 v5, v3;
	v19 =	vadd.f32 v7, v6  }
0xdf: {  	v20 =	vadd.f32 v8, v2;
	v8 =	vld [tilespmem:s11+$0xCB60];
	v5 =	vadd.f32 v10, v4  }
0xe0: {  	v7 =	vld [tilespmem:s11+$0xCB70];
	v4 =	vadd.f32 v1, v11;
	v11 =	vadd.f32 v16, v3  }
0xe1: {  	s12 =	simm.s32 $0x80;
	v6 =	vld [tilespmem:s11+$0xCB80];
	v10 =	vadd.f32 v17, v19;
	v3 =	vadd.f32 v13, v12  }
0xe2: {  	s13 =	simm.s32 $0x400;
	v2 =	vld [tilespmem:s12+$0x6790];
	v1 =	vadd.f32 v15, v14;
	v12 =	vmax.f32 v11, $0.0e+00;
	v11 =	vadd.f32 v18, v20  }
.LBB2_8:
0xe3: {  	p0 =	sne.s32 s13, $0x6200;
	v13 =	vld [tilespmem:s12+$0x9990];
	[tilespmem:s11+$0xFD20] =	vst v12;
	v10 =	vmax.f32 v10, $0.0e+00;
	v5 =	vadd.f32 v9, v5  }
0xe4: {  	v9 =	vld [tilespmem:s12+$0x6720];
	[tilespmem:s11+$0xFD30] =	vst v10;
	v10 =	vmax.f32 v11, $0.0e+00;
	v4 =	vadd.f32 v8, v4  }
0xe5: {  	v8 =	vld [tilespmem:s12+$0xCB90];
	[tilespmem:s11+$0xFD40] =	vst v10;
	v5 =	vmax.f32 v5, $0.0e+00;
	v3 =	vadd.f32 v7, v3  }
0xe6: {  	v7 =	vld [tilespmem:s12+$0x9920];
	[tilespmem:s11+$0xFD50] =	vst v5;
	v4 =	vmax.f32 v4, $0.0e+00;
	v1 =	vadd.f32 v6, v1  }
0xe7: {  	v5 =	vld [tilespmem:s12+$0x6730];
	[tilespmem:s11+$0xFD60] =	vst v4;
	v3 =	vmax.f32 v3, $0.0e+00  }
0xe8: {  	v4 =	vld [tilespmem:s12+$0x9930];
	v2 =	vadd.f32 v13, v2;
	[tilespmem:s11+$0xFD70] =	vst v3;
	v1 =	vmax.f32 v1, $0.0e+00  }
0xe9: {  	v3 =	vld [tilespmem:s12+$0x6740];
	[tilespmem:s11+$0xFD80] =	vst v1;
	s11 =	smov.u32 s12  }
0xea: {  	v1 =	vld [tilespmem:s11+$0x9940];
	v2 =	vadd.f32 v8, v2  }
0xeb: {  	v6 =	vadd.f32 v7, v9;
	v7 =	vld [tilespmem:s11+$0x6750]  }
0xec: {  	v8 =	vld [tilespmem:s11+$0x9950];
	v2 =	vmax.f32 v2, $0.0e+00  }
0xed: {  	v10 =	vadd.f32 v4, v5;
	v4 =	vld [tilespmem:s11+$0x6760];
	[tilespmem:s11+$0xFD90] =	vst v2  }
0xee: {  	v2 =	vld [tilespmem:s11+$0x9960]  }
0xef: {  	v11 =	vadd.f32 v1, v3;
	v1 =	vld [tilespmem:s11+$0x6770]  }
0xf0: {  	v3 =	vld [tilespmem:s11+$0x9970]  }
0xf1: {  	v5 =	vadd.f32 v8, v7;
	v7 =	vld [tilespmem:s11+$0x6780]  }
0xf2: {  	v12 =	vld [tilespmem:s11+$0x9980]  }
0xf3: {  	v13 =	vld [tilespmem:s11+$0xCB20];
	v4 =	vadd.f32 v2, v4  }
0xf4: {  	v2 =	vld [tilespmem:s11+$0xCB30]  }
0xf5: {  	v14 =	vld [tilespmem:s11+$0xCB40];
	v3 =	vadd.f32 v3, v1  }
.Ltmp7:
0xf6: {  	v9 =	vld [tilespmem:s11+$0xCB50];
	(pc) =	sbr.rel @p0 .LBB2_8-.Ltmp7, $4  }
0xf7: {  	v8 =	vld [tilespmem:s11+$0xCB60];
	v1 =	vadd.f32 v12, v7  }
0xf8: {  	v12 =	vadd.f32 v13, v6;
	v7 =	vld [tilespmem:s11+$0xCB70]  }
0xf9: {  	s12 =	sshra.s32 s13, $0x2;
	v10 =	vadd.f32 v2, v10;
	v6 =	vld [tilespmem:s11+$0xCB80]  }
0xfa: {  	s13 =	sadd.s32 $0x200, s13;
	v2 =	vld [tilespmem:s12+$0x6790];
	v12 =	vmax.f32 v12, $0.0e+00;
	v11 =	vadd.f32 v14, v11  }
0xfb: {  	v13 =	vld [tilespmem:s12+$0x9990];
	[tilespmem:s11+$0xFD20] =	vst v12;
	v10 =	vmax.f32 v10, $0.0e+00;
	v5 =	vadd.f32 v9, v5  }
0xfc: {  	v12 =	vld [tilespmem:s12+$0x6720];
	[tilespmem:s11+$0xFD30] =	vst v10;
	v50 =	vmax.f32 v11, $0.0e+00;
	v4 =	vadd.f32 v8, v4  }
0xfd: {  	v10 =	vld [tilespmem:s12+$0xCB90];
	[tilespmem:s11+$0xFD40] =	vst v50;
	v5 =	vmax.f32 v5, $0.0e+00;
	v3 =	vadd.f32 v7, v3  }
0xfe: {  	v51 =	vld [tilespmem:s12+$0x9920];
	[tilespmem:s11+$0xFD50] =	vst v5;
	v4 =	vmax.f32 v4, $0.0e+00;
	v1 =	vadd.f32 v6, v1  }
0xff: {  	v5 =	vld [tilespmem:s12+$0x6730];
	[tilespmem:s11+$0xFD60] =	vst v4;
	v3 =	vmax.f32 v3, $0.0e+00  }
0x100: {  	v4 =	vld [tilespmem:s12+$0x9930];
	[tilespmem:s11+$0xFD70] =	vst v3;
	v1 =	vmax.f32 v1, $0.0e+00  }
0x101: {  	v3 =	vld [tilespmem:s12+$0x6740];
	[tilespmem:s11+$0xFD80] =	vst v1  }
0x102: {  	v1 =	vld [tilespmem:s12+$0x9940]  }
0x103: {  	v52 =	vld [tilespmem:s12+$0x6750]  }
0x104: {  	v53 =	vld [tilespmem:s12+$0x9950]  }
0x105: {  	v9 =	vld [tilespmem:s12+$0x6760]  }
0x106: {  	v54 =	vld [tilespmem:s12+$0x6770]  }
0x107: {  	v55 =	vld [tilespmem:s12+$0x9970]  }
0x108: {  	v2 =	vadd.f32 v13, v2;
	v56 =	vld [tilespmem:s12+$0x6780]  }
0x109: {  	v14 =	vld [tilespmem:s12+$0x9980]  }
0x10a: {  	v2 =	vadd.f32 v10, v2;
	v15 =	vld [tilespmem:s12+$0xCB20]  }
0x10b: {  	v16 =	vld [tilespmem:s12+$0xCB30]  }
0x10c: {  	v17 =	vld [tilespmem:s12+$0xCB40];
	v2 =	vmax.f32 v2, $0.0e+00  }
0x10d: {  	[tilespmem:s12+$0xFD90] =	vst v2;
	v2 =	vld [tilespmem:s12+$0x9960]  }
0x10e: {  	v57 =	vld [tilespmem:s12+$0xCB50];
	v8 =	vadd.f32 v51, v12  }
0x10f: {  	v58 =	vld [tilespmem:s12+$0xCB60];
	v4 =	vadd.f32 v4, v5  }
0x110: {  	v59 =	vld [tilespmem:s12+$0xCB70];
	v1 =	vadd.f32 v1, v3;
	v3 =	vadd.f32 v15, v8  }
0x111: {  	v60 =	vld [tilespmem:s12+$0xCB80];
	v6 =	vadd.f32 v53, v52;
	v4 =	vadd.f32 v16, v4  }
0x112: {  	v1 =	vadd.f32 v17, v1;
	v3 =	vmax.f32 v3, $0.0e+00;
	v2 =	vadd.f32 v2, v9  }
0x113: {  	v61 =	vadd.f32 v55, v54;
	v62 =	vadd.f32 v57, v6;
	[tilespmem:s12+$0xFD20] =	vst v3;
	v3 =	vmax.f32 v4, $0.0e+00  }
0x114: {  	s0 =	smul.u32 $0x190, s0;
	v63 =	vadd.f32 v14, v56;
	[tilespmem:s12+$0xFD30] =	vst v3;
	v1 =	vmax.f32 v1, $0.0e+00;
	v2 =	vadd.f32 v58, v2  }
0x115: {  	v3 =	vadd.f32 v59, v61;
	[tilespmem:s12+$0xFD40] =	vst v1;
	v1 =	vmax.f32 v62, $0.0e+00  }
0x116: {  	s18 =	sadd.s32 s4, s0;
	[tilespmem:s12+$0xFD50] =	vst v1;
	v1 =	vmax.f32 v2, $0.0e+00;
	v2 =	vadd.f32 v60, v63  }
0x117: {  	s11 =	sshll.u32 s18, $0x1;
	[tilespmem:s12+$0xFD60] =	vst v1;
	v1 =	vmax.f32 v3, $0.0e+00  }
0x118: {  	s11 =	sand.u32 $0x1FFFFFE0, s11;
	[tilespmem:s12+$0xFD70] =	vst v1;
	v1 =	vmax.f32 v2, $0.0e+00  }
0x119: {  	s11 =	sadd.s32 s8, s11;
	[tilespmem:s12+$0xFD80] =	vst v1  }
0x11a: {  	[hbm4b:s11+s5] =	stream.linear.scatter [tilespmem:s1], [sflag:$0x8], $0x1900, $0x38;
	[tilespmem:$0x16620] =	vst v63  }
.Ltmp8:
0x11b: {  	s0 =	sadd.s32 $0x2710, s0;
	(pc) =	sbr.rel .LBB2_10-.Ltmp8, $4  }
0x11c: {  	[spmem:s3] =	stream.indirect.scatter.add.f32 [tilespmem:s1], [sflag:$0x9], $0x10, s0, s19, $0xb8;
	[tilespmem:$0x16620] =	vst v63  }
0x11d: {  	_ =	swait.ge [sflag:s17], $0x1900  }
0x11e: {  	[sflag:s17] =	ssyncset.done $0x0  }
0x11f: {  	[sflag:s17] =	ssyncadd.s32 $0xFFFFE700  }
.LBB2_12:
0x120: {  	_ =	sfence.sel $0x180000  }
0x121: {  	[bflag:$0x0] =	sbarrier.arrive $0xFFFF  }
0x122: {  	_ =	strace $0x90000047  }
0x123: {  	s0 =	stileid.u32;
	[bflag:$0x2] =	sbarrier.arrive $0xFFFF  }
0x124: {  	p0 =	sne.s32 s0, $0x0;
	s0 =	rddreg [dreg:$0x3]  }
0x125: {  	s0 =	sadd.s32 @!p0 $0x100000, s0  }
0x126: {  	[sflag:s0] =	ssyncadd.tile.s32 @!p0 $0x1;
	_ =	shalt  }
.Lfunc_end2:
_tile_overlayer_lowered:
.L_overlay_start_2:
0x127: {  	(tag) =	ssettag $0x2  }
0x128: {  	s0 =	rddreg [dreg:$0x0];
	s2 =	stileid.u32  }
0x129: {  	s1 =	rddreg [dreg:$0x1];
	p0 =	sne.s32 s2, $0x0  }
0x12a: {  	s3 =	rddreg [dreg:$0x2];
	[bflag:$0x3] =	sbarrier.arrive $0xFFFF;
	s2 =	simm.s32 @!p0 $0x1C09  }
0x12b: {  	[timem:s3], [sflag:s2] =	dma.local @!p0 [hbm:s0], s1  }
0x12c: {  	s0 =	simm.s32 @!p0 $0x9  }
0x12d: {  	_ =	swait.ge @!p0 [sflag:s0], s1  }
0x12e: {  	s1 =	ssub.s32 @!p0 $0x0, s1;
	[sflag:s0] =	ssyncset.done @!p0 $0x0  }
0x12f: {  	[sflag:s0] =	ssyncadd.s32 @!p0 s1  }
0x130: {  	[bflag:$0x3] =	sbarrier.arrive $0xFFFF  }
0x131: {  	_ =	shalt  }

</sc_bundles>
